<compile_context>
chip_gen: v7x
topology: tpu7x:2x2x1
jax: 0.10.2.dev20260603
libtpu: 0.0.44.dev20260713+nightly
codegen_flags: <defaults>
</compile_context>

<pallas_src>
import functools

import jax
import jax.numpy as jnp
from jax import lax
from jax.experimental import pallas as pl
from jax.experimental.pallas import tpu as pltpu
from jax.experimental.pallas import tpu_sc as plsc

_MARGIN = 0.5
_EPS = 1e-6


def _stage1_body(a_ref, p_ref, n_ref, in_ref, ip_ref, loss_ref,
                 sp_ref, sn_ref):
    a = a_ref[...]
    dp = a - p_ref[...] + _EPS
    dn = a - n_ref[...] + _EPS
    sp_ref[...] = jnp.sum(dp * dp, axis=-1)
    sn_ref[...] = jnp.sum(dn * dn, axis=-1)
    dist_pos = jnp.sqrt(sp_ref[...])
    dist_neg = jnp.sqrt(sn_ref[...])

    bb, nn = dist_pos.shape
    iota = lax.broadcasted_iota(jnp.int32, (bb, nn), 1)

    mask_neg = ((dist_pos - dist_neg) + _MARGIN) > 0
    neg_scores = jnp.where(mask_neg, dist_neg, -jnp.inf)
    mn = jnp.max(neg_scores, axis=-1, keepdims=True)
    idxn = jnp.min(jnp.where(neg_scores == mn, iota, nn), axis=-1)

    mask_pos = ((dist_neg - dist_pos) + _MARGIN) > 0
    pos_scores = jnp.where(mask_pos, dist_pos, jnp.inf)
    mp = jnp.min(pos_scores, axis=-1, keepdims=True)
    idxp = jnp.min(jnp.where(pos_scores == mp, iota, nn), axis=-1)

    in_ref[0, 0, :] = idxn
    ip_ref[0, 0, :] = idxp

    part = jnp.sum(jnp.maximum((_MARGIN + dist_pos) - dist_neg, 0.0))

    @pl.when(pl.program_id(0) == 0)
    def _():
        loss_ref[0, 0] = 0.0

    loss_ref[0, 0] += part


def _stage1(anchor, positive, negative, bb=64, interpret=False):
    B, N, D = anchor.shape
    grid = (B // bb,)
    in_spec = pl.BlockSpec((bb, N, D), lambda i: (i, 0, 0))
    idxn3, idxp3, loss_sum = pl.pallas_call(
        _stage1_body,
        grid=grid,
        in_specs=[in_spec, in_spec, in_spec],
        out_specs=[
            pl.BlockSpec((1, 1, bb), lambda i: (i, 0, 0)),
            pl.BlockSpec((1, 1, bb), lambda i: (i, 0, 0)),
            pl.BlockSpec(memory_space=pltpu.SMEM),
        ],
        out_shape=[
            jax.ShapeDtypeStruct((B // bb, 1, bb), jnp.int32),
            jax.ShapeDtypeStruct((B // bb, 1, bb), jnp.int32),
            jax.ShapeDtypeStruct((1, 1), jnp.float32),
        ],
        scratch_shapes=[
            pltpu.VMEM((bb, N), jnp.float32),
            pltpu.VMEM((bb, N), jnp.float32),
        ],
        interpret=interpret,
    )(anchor, positive, negative)
    return idxn3.reshape(B), idxp3.reshape(B), loss_sum[0, 0]


@functools.lru_cache(maxsize=None)
def _make_gather(B, N, D, K):
    info = plsc.get_sparse_core_info()
    NC, NS = info.num_cores, info.num_subcores
    NW = NC * NS
    BPW = B // NW
    NCHUNK = BPW // K
    mesh = plsc.VectorSubcoreMesh(core_axis_name="c", subcore_axis_name="s")

    @functools.partial(
        pl.kernel,
        mesh=mesh,
        out_type=[
            jax.ShapeDtypeStruct((B, N, D), jnp.float32),
            jax.ShapeDtypeStruct((B, N, D), jnp.float32),
        ],
        scratch_types=[
            pltpu.VMEM((NCHUNK, K), jnp.int32),
            pltpu.VMEM((NCHUNK, K), jnp.int32),
            pltpu.VMEM((3, K, N, D), jnp.float32),
            pltpu.SemaphoreType.DMA,
            pltpu.SemaphoreType.DMA,
        ],
    )
    def _gather(neg_hbm, pos_hbm, ineg_hbm, ipos_hbm, hn_hbm, hp_hbm,
                ineg_v, ipos_v, bufs, sem_in, sem_out):
        wid = lax.axis_index("s") * NC + lax.axis_index("c")
        base = wid * BPW
        pltpu.sync_copy(ineg_hbm.at[pl.ds(wid * NCHUNK, NCHUNK)], ineg_v)
        pltpu.sync_copy(ipos_hbm.at[pl.ds(wid * NCHUNK, NCHUNK)], ipos_v)
        tabs = (neg_hbm, pos_hbm)
        idxs = (ineg_v, ipos_v)
        outs = (hn_hbm, hp_hbm)

        def fire_in(t, c, b):
            pltpu.async_copy(tabs[t].at[idxs[t].at[c]], bufs.at[b], sem_in)

        def wait_in(b):
            pltpu.make_async_copy(tabs[0].at[pl.ds(0, K)], bufs.at[b],
                                  sem_in).wait()

        def fire_out(t, c, b):
            pltpu.async_copy(bufs.at[b], outs[t].at[pl.ds(base + c * K, K)],
                             sem_out)

        def wait_out(b):
            pltpu.make_async_copy(tabs[0].at[pl.ds(0, K)], bufs.at[b],
                                  sem_out).wait()

        def step(o, u, with_guards):
            t, b = u % 2, u % 3
            c = 3 * o + u // 2
            free = functools.partial(wait_out, (u - 3) % 3)
            if u >= 3 or not with_guards:
                free()
            else:
                pl.when(o > 0)(free)
            fire_in(t, c, b)

            def drain():
                wait_in((u - 2) % 3)
                fire_out((u - 2) % 2, 3 * o + (u - 2) // 2, (u - 2) % 3)

            if u >= 2:
                drain()
            elif with_guards:
                pl.when(o > 0)(drain)
            else:
                drain()

        def body(o, _):
            for u in range(6):
                step(o, u, with_guards=True)
            return _

        n_outer = (2 * NCHUNK - 2) // 6
        lax.fori_loop(0, n_outer, body, None)
        for u in range(2):
            step(n_outer, u, with_guards=False)
        last = 2 * NCHUNK - 1
        for j in (last - 1, last):
            wait_in(j % 3)
            fire_out(j % 2, j // 2, j % 3)
        for j in (last - 2, last - 1, last):
            wait_out(j % 3)

    return _gather


def kernel(anchor, positive, negative):
    B, N, D = anchor.shape
    idx_neg, idx_pos, loss_sum = _stage1(anchor, positive, negative)
    loss = loss_sum / jnp.float32(B * N)
    K = 2
    gather = _make_gather(B, N, D, K)
    hn, hp = gather(
        negative,
        positive,
        idx_neg.reshape(B // K, K),
        idx_pos.reshape(B // K, K),
    )
    return loss, hn, hp

# --- scband reference (transcript-rebuilt; emitter-appended) ---
"""Pipeline reference for scband-triplet-loss-with-hard-mining-52690658787917 (READ-ONLY COPY).

The authoritative reference and input builder live on the scoring server;
editing this copy changes nothing except your own understanding.
"""

import jax, jax.numpy as jnp
import numpy as np

MARGIN = 0.5

def _pairwise_distance(x1, x2, eps=1e-6):
    # torch F.pairwise_distance(x1, x2, p=2): ||x1 - x2 + eps||_2 over last dim
    d = x1 - x2 + eps
    return jnp.sqrt(jnp.sum(d * d, axis=-1))


def setup_inputs(seed: int = 0) -> dict:
    key = jax.random.key(seed)
    k1, k2, k3 = jax.random.split(key, 3)
    B, N, D = 1024, 128, 128
    anchor = jax.random.normal(k1, (B, N, D), dtype=jnp.float32)
    positive = jax.random.normal(k2, (B, N, D), dtype=jnp.float32)
    negative = jax.random.normal(k3, (B, N, D), dtype=jnp.float32)
    return {"anchor": anchor, "positive": positive, "negative": negative}


def reference(anchor, positive, negative):
    margin = MARGIN
    dist_pos = _pairwise_distance(anchor, positive)  # [B, N]
    dist_neg = _pairwise_distance(anchor, negative)  # [B, N]

    # hard negatives: among j with dist_pos - dist_neg + margin > 0,
    # first j maximizing dist_neg[i][j] (matches cand[argmax(dist_neg[i][cand])],
    # and cand[0] when a single candidate exists)
    mask_neg = (dist_pos - dist_neg + margin) > 0
    neg_scores = jnp.where(mask_neg, dist_neg, -jnp.inf)
    hard_neg_batch_idx = jnp.argmax(neg_scores, axis=-1)  # [B]
    # faithful to torch: negative[candidate_idxs[hard_neg_idx]] (batch-dim index)
    hard_neg = negative[hard_neg_batch_idx]

    # hard positives: among j with dist_neg - dist_pos + margin > 0,
    # first j minimizing dist_pos[i][j]
    mask_pos = (dist_neg - dist_pos + margin) > 0
    pos_scores = jnp.where(mask_pos, dist_pos, jnp.inf)
    hard_pos_batch_idx = jnp.argmin(pos_scores, axis=-1)  # [B]
    hard_pos = positive[hard_pos_batch_idx]

    loss = jnp.mean(jax.nn.relu(margin + dist_pos - dist_neg))
    return (loss, hard_neg, hard_pos)

if __name__ == "__main__":
    import jax
    _d = setup_inputs()
    print(jax.jit(kernel)(*tuple(_d.values())))

</pallas_src>

<mosaic_0001>
#map = affine_map<(d0, d1) -> (0, 0, 0)>
#map1 = affine_map<(d0, d1) -> (0, 0)>
module attributes {stable_mosaic.version = 14 : i64} {
  func.func @_gather(%arg0: i32, %arg1: i32, %arg2: memref<1024x128x128xf32, #tpu.memory_space<hbm>>, %arg3: memref<1024x128x128xf32, #tpu.memory_space<hbm>>, %arg4: memref<512x2xi32, #tpu.memory_space<hbm>>, %arg5: memref<512x2xi32, #tpu.memory_space<hbm>>, %arg6: memref<1024x128x128xf32, #tpu.memory_space<hbm>>, %arg7: memref<1024x128x128xf32, #tpu.memory_space<hbm>>, %arg8: memref<16x2xi32, #tpu.memory_space<vmem>>, %arg9: memref<16x2xi32, #tpu.memory_space<vmem>>, %arg10: memref<3x2x128x128xf32, #tpu.memory_space<vmem>>, %arg11: memref<!tpu.dma_semaphore, #tpu.memory_space<semaphore_mem>>, %arg12: memref<!tpu.dma_semaphore, #tpu.memory_space<semaphore_mem>>) attributes {dimension_semantics = [#tpu.dimension_semantics<core_parallel>, #tpu.dimension_semantics<subcore_parallel>], iteration_bounds = array<i64: 2, 16>, scalar_prefetch = 0 : i64, scratch_operands = 5 : i64, tpu.core_type = #tpu.core_type<sc_vector_subcore>, window_params = [{transform_indices = #map}, {transform_indices = #map}, {transform_indices = #map1}, {transform_indices = #map1}, {transform_indices = #map}, {transform_indices = #map}]} {
    %mul3A = arith.constant 2 : i32
    %mul3A_0 = arith.muli %arg1, %mul3A : i32
    %add3A = arith.addi %mul3A_0, %arg0 : i32
    %mul3A_1 = arith.constant 32 : i32
    %mul3A_2 = arith.muli %add3A, %mul3A_1 : i32
    %mul3A_3 = arith.constant 16 : i32
    %mul3A_4 = arith.muli %add3A, %mul3A_3 : i32
    "tpu.region"() ({
      %run_scoped3A = tpu.sem_alloc : memref<!tpu.dma_semaphore, #tpu.memory_space<semaphore_mem>>
      %dma_start3A_284 = arith.constant 0 : i32
      %dma_start3A_285 = tpu.memref_slice %arg4[%mul3A_4, %dma_start3A_284] : memref<512x2xi32, #tpu.memory_space<hbm>> -> memref<16x2xi32, #tpu.memory_space<hbm>>
      %dma_start3A_286 = arith.constant 0 : i32
      %dma_start3A_287 = tpu.memref_slice %arg4[%mul3A_4, %dma_start3A_286] : memref<512x2xi32, #tpu.memory_space<hbm>> -> memref<16x2xi32, #tpu.memory_space<hbm>>
      tpu.enqueue_dma source(%dma_start3A_287 : memref<16x2xi32, #tpu.memory_space<hbm>>) target(%arg8 : memref<16x2xi32, #tpu.memory_space<vmem>>) target_semaphore(%run_scoped3A : memref<!tpu.dma_semaphore, #tpu.memory_space<semaphore_mem>>)
      %dma_wait3A_288 = arith.constant 0 : i32
      %dma_wait3A_289 = tpu.memref_slice %arg4[%mul3A_4, %dma_wait3A_288] : memref<512x2xi32, #tpu.memory_space<hbm>> -> memref<16x2xi32, #tpu.memory_space<hbm>>
      %dma_wait3A_290 = arith.constant 0 : i32
      %dma_wait3A_291 = tpu.memref_slice %arg4[%mul3A_4, %dma_wait3A_290] : memref<512x2xi32, #tpu.memory_space<hbm>> -> memref<16x2xi32, #tpu.memory_space<hbm>>
      tpu.wait_dma2 semaphore(%run_scoped3A : memref<!tpu.dma_semaphore, #tpu.memory_space<semaphore_mem>>) src(%dma_wait3A_291 : memref<16x2xi32, #tpu.memory_space<hbm>>) dst(%arg8 : memref<16x2xi32, #tpu.memory_space<vmem>>)
      tpu.yield
    }) : () -> ()
    %mul3A_5 = arith.constant 16 : i32
    %mul3A_6 = arith.muli %add3A, %mul3A_5 : i32
    "tpu.region"() ({
      %run_scoped3A = tpu.sem_alloc : memref<!tpu.dma_semaphore, #tpu.memory_space<semaphore_mem>>
      %dma_start3A_284 = arith.constant 0 : i32
      %dma_start3A_285 = tpu.memref_slice %arg5[%mul3A_6, %dma_start3A_284] : memref<512x2xi32, #tpu.memory_space<hbm>> -> memref<16x2xi32, #tpu.memory_space<hbm>>
      %dma_start3A_286 = arith.constant 0 : i32
      %dma_start3A_287 = tpu.memref_slice %arg5[%mul3A_6, %dma_start3A_286] : memref<512x2xi32, #tpu.memory_space<hbm>> -> memref<16x2xi32, #tpu.memory_space<hbm>>
      tpu.enqueue_dma source(%dma_start3A_287 : memref<16x2xi32, #tpu.memory_space<hbm>>) target(%arg9 : memref<16x2xi32, #tpu.memory_space<vmem>>) target_semaphore(%run_scoped3A : memref<!tpu.dma_semaphore, #tpu.memory_space<semaphore_mem>>)
      %dma_wait3A_288 = arith.constant 0 : i32
      %dma_wait3A_289 = tpu.memref_slice %arg5[%mul3A_6, %dma_wait3A_288] : memref<512x2xi32, #tpu.memory_space<hbm>> -> memref<16x2xi32, #tpu.memory_space<hbm>>
      %dma_wait3A_290 = arith.constant 0 : i32
      %dma_wait3A_291 = tpu.memref_slice %arg5[%mul3A_6, %dma_wait3A_290] : memref<512x2xi32, #tpu.memory_space<hbm>> -> memref<16x2xi32, #tpu.memory_space<hbm>>
      tpu.wait_dma2 semaphore(%run_scoped3A : memref<!tpu.dma_semaphore, #tpu.memory_space<semaphore_mem>>) src(%dma_wait3A_291 : memref<16x2xi32, #tpu.memory_space<hbm>>) dst(%arg9 : memref<16x2xi32, #tpu.memory_space<vmem>>)
      tpu.yield
    }) : () -> ()
    %scan3A = arith.constant 0 : i32
    %scan3A_7 = arith.constant 5 : i32
    %scan3A_8 = arith.addi %scan3A, %scan3A_7 : i32
    %scan3A_9 = arith.constant 1 : i32
    scf.for %scan3A_284 = %scan3A to %scan3A_8 step %scan3A_9  : i32 {
      %mul3A_285 = arith.constant 3 : i32
      %mul3A_286 = arith.muli %mul3A_285, %scan3A_284 : i32
      %add3A_287 = arith.constant 0 : i32
      %add3A_288 = arith.addi %mul3A_286, %add3A_287 : i32
      %gt3A = arith.constant 0 : i32
      %gt3A_289 = arith.cmpi sgt, %scan3A_284, %gt3A : i32
      %convert_element_type3A = arith.extui %gt3A_289 : i1 to i32
      %cond3A = arith.constant 0 : i32
      %cond3A_290 = arith.cmpi ne, %convert_element_type3A, %cond3A : i32
      scf.if %cond3A_290 {
        %dma_wait3A_638 = arith.constant 0 : i32
        %dma_wait3A_639 = arith.constant 0 : i32
        %dma_wait3A_640 = arith.constant 0 : i32
        %dma_wait3A_641 = arith.constant 0 : i32
        %dma_wait3A_642 = tpu.memref_slice %arg10[%dma_wait3A_638, %dma_wait3A_639, %dma_wait3A_640, %dma_wait3A_641] : memref<3x2x128x128xf32, #tpu.memory_space<vmem>> -> memref<1x2x128x128xf32, #tpu.memory_space<vmem>>
        %dma_wait3A_643 = tpu.memref_squeeze %dma_wait3A_642 : memref<1x2x128x128xf32, #tpu.memory_space<vmem>> -> memref<2x128x128xf32, #tpu.memory_space<vmem>>
        %dma_wait3A_644 = arith.constant 0 : i32
        %dma_wait3A_645 = arith.constant 0 : i32
        %dma_wait3A_646 = arith.constant 0 : i32
        %dma_wait3A_647 = tpu.memref_slice %arg2[%dma_wait3A_644, %dma_wait3A_645, %dma_wait3A_646] : memref<1024x128x128xf32, #tpu.memory_space<hbm>> -> memref<2x128x128xf32, #tpu.memory_space<hbm>>
        %dma_wait3A_648 = arith.constant 0 : i32
        %dma_wait3A_649 = arith.constant 0 : i32
        %dma_wait3A_650 = arith.constant 0 : i32
        %dma_wait3A_651 = tpu.memref_slice %arg10[%dma_wait3A_638, %dma_wait3A_648, %dma_wait3A_649, %dma_wait3A_650] : memref<3x2x128x128xf32, #tpu.memory_space<vmem>> -> memref<1x2x128x128xf32, #tpu.memory_space<vmem>>
        %dma_wait3A_652 = tpu.memref_squeeze %dma_wait3A_651 : memref<1x2x128x128xf32, #tpu.memory_space<vmem>> -> memref<2x128x128xf32, #tpu.memory_space<vmem>>
        %dma_wait3A_653 = arith.constant 0 : i32
        %dma_wait3A_654 = arith.constant 0 : i32
        %dma_wait3A_655 = arith.constant 0 : i32
        %dma_wait3A_656 = tpu.memref_slice %arg2[%dma_wait3A_653, %dma_wait3A_654, %dma_wait3A_655] : memref<1024x128x128xf32, #tpu.memory_space<hbm>> -> memref<2x128x128xf32, #tpu.memory_space<hbm>>
        tpu.wait_dma2 semaphore(%arg12 : memref<!tpu.dma_semaphore, #tpu.memory_space<semaphore_mem>>) src(%dma_wait3A_656 : memref<2x128x128xf32, #tpu.memory_space<hbm>>) dst(%dma_wait3A_652 : memref<2x128x128xf32, #tpu.memory_space<vmem>>)
      } else {
      }
      %dma_start3A_291 = arith.constant 0 : i32
      %dma_start3A_292 = arith.constant 0 : i32
      %dma_start3A_293 = arith.constant 0 : i32
      %dma_start3A_294 = arith.constant 0 : i32
      %dma_start3A_295 = tpu.memref_slice %arg10[%dma_start3A_291, %dma_start3A_292, %dma_start3A_293, %dma_start3A_294] : memref<3x2x128x128xf32, #tpu.memory_space<vmem>> -> memref<1x2x128x128xf32, #tpu.memory_space<vmem>>
      %dma_start3A_296 = tpu.memref_squeeze %dma_start3A_295 : memref<1x2x128x128xf32, #tpu.memory_space<vmem>> -> memref<2x128x128xf32, #tpu.memory_space<vmem>>
      %dma_start3A_297 = arith.constant 0 : i32
      %dma_start3A_298 = tpu.memref_slice %arg8[%add3A_288, %dma_start3A_297] : memref<16x2xi32, #tpu.memory_space<vmem>> -> memref<1x2xi32, #tpu.memory_space<vmem>>
      %dma_start3A_299 = tpu.memref_squeeze %dma_start3A_298 : memref<1x2xi32, #tpu.memory_space<vmem>> -> memref<2xi32, #tpu.memory_space<vmem>>
      %dma_start3A_300 = arith.constant 0 : i32
      %dma_start3A_301 = arith.constant 0 : i32
      %dma_start3A_302 = arith.constant 0 : i32
      %dma_start3A_303 = tpu.memref_slice %arg2[%dma_start3A_300, %dma_start3A_301, %dma_start3A_302] : memref<1024x128x128xf32, #tpu.memory_space<hbm>> -> memref<1024x128x128xf32, #tpu.memory_space<hbm>>
      tpu.enqueue_indirect_dma source(%dma_start3A_303 : memref<1024x128x128xf32, #tpu.memory_space<hbm>>) target(%dma_start3A_296 : memref<2x128x128xf32, #tpu.memory_space<vmem>>) offsets(%dma_start3A_299 : memref<2xi32, #tpu.memory_space<vmem>>) semaphore(%arg11 : memref<!tpu.dma_semaphore, #tpu.memory_space<semaphore_mem>>)
      %gt3A_304 = arith.constant 0 : i32
      %gt3A_305 = arith.cmpi sgt, %scan3A_284, %gt3A_304 : i32
      %convert_element_type3A_306 = arith.extui %gt3A_305 : i1 to i32
      %cond3A_307 = arith.constant 0 : i32
      %cond3A_308 = arith.cmpi ne, %convert_element_type3A_306, %cond3A_307 : i32
      scf.if %cond3A_308 {
        %dma_wait3A_638 = arith.constant 1 : i32
        %dma_wait3A_639 = arith.constant 0 : i32
        %dma_wait3A_640 = arith.constant 0 : i32
        %dma_wait3A_641 = arith.constant 0 : i32
        %dma_wait3A_642 = tpu.memref_slice %arg10[%dma_wait3A_638, %dma_wait3A_639, %dma_wait3A_640, %dma_wait3A_641] : memref<3x2x128x128xf32, #tpu.memory_space<vmem>> -> memref<1x2x128x128xf32, #tpu.memory_space<vmem>>
        %dma_wait3A_643 = tpu.memref_squeeze %dma_wait3A_642 : memref<1x2x128x128xf32, #tpu.memory_space<vmem>> -> memref<2x128x128xf32, #tpu.memory_space<vmem>>
        %dma_wait3A_644 = arith.constant 0 : i32
        %dma_wait3A_645 = arith.constant 0 : i32
        %dma_wait3A_646 = arith.constant 0 : i32
        %dma_wait3A_647 = tpu.memref_slice %arg2[%dma_wait3A_644, %dma_wait3A_645, %dma_wait3A_646] : memref<1024x128x128xf32, #tpu.memory_space<hbm>> -> memref<2x128x128xf32, #tpu.memory_space<hbm>>
        %dma_wait3A_648 = arith.constant 0 : i32
        %dma_wait3A_649 = arith.constant 0 : i32
        %dma_wait3A_650 = arith.constant 0 : i32
        %dma_wait3A_651 = tpu.memref_slice %arg10[%dma_wait3A_638, %dma_wait3A_648, %dma_wait3A_649, %dma_wait3A_650] : memref<3x2x128x128xf32, #tpu.memory_space<vmem>> -> memref<1x2x128x128xf32, #tpu.memory_space<vmem>>
        %dma_wait3A_652 = tpu.memref_squeeze %dma_wait3A_651 : memref<1x2x128x128xf32, #tpu.memory_space<vmem>> -> memref<2x128x128xf32, #tpu.memory_space<vmem>>
        %dma_wait3A_653 = arith.constant 0 : i32
        %dma_wait3A_654 = arith.constant 0 : i32
        %dma_wait3A_655 = arith.constant 0 : i32
        %dma_wait3A_656 = tpu.memref_slice %arg2[%dma_wait3A_653, %dma_wait3A_654, %dma_wait3A_655] : memref<1024x128x128xf32, #tpu.memory_space<hbm>> -> memref<2x128x128xf32, #tpu.memory_space<hbm>>
        tpu.wait_dma2 semaphore(%arg11 : memref<!tpu.dma_semaphore, #tpu.memory_space<semaphore_mem>>) src(%dma_wait3A_656 : memref<2x128x128xf32, #tpu.memory_space<hbm>>) dst(%dma_wait3A_652 : memref<2x128x128xf32, #tpu.memory_space<vmem>>)
        %mul3A_657 = arith.constant 3 : i32
        %mul3A_658 = arith.muli %mul3A_657, %scan3A_284 : i32
        %add3A_659 = arith.constant -1 : i32
        %add3A_660 = arith.addi %mul3A_658, %add3A_659 : i32
        %mul3A_661 = arith.constant 2 : i32
        %mul3A_662 = arith.muli %add3A_660, %mul3A_661 : i32
        %add3A_663 = arith.addi %mul3A_2, %mul3A_662 : i32
        %dma_start3A_664 = arith.constant 1 : i32
        %dma_start3A_665 = arith.constant 0 : i32
        %dma_start3A_666 = arith.constant 0 : i32
        %dma_start3A_667 = arith.constant 0 : i32
        %dma_start3A_668 = tpu.memref_slice %arg10[%dma_start3A_664, %dma_start3A_665, %dma_start3A_666, %dma_start3A_667] : memref<3x2x128x128xf32, #tpu.memory_space<vmem>> -> memref<1x2x128x128xf32, #tpu.memory_space<vmem>>
        %dma_start3A_669 = tpu.memref_squeeze %dma_start3A_668 : memref<1x2x128x128xf32, #tpu.memory_space<vmem>> -> memref<2x128x128xf32, #tpu.memory_space<vmem>>
        %dma_start3A_670 = arith.constant 0 : i32
        %dma_start3A_671 = arith.constant 0 : i32
        %dma_start3A_672 = tpu.memref_slice %arg6[%add3A_663, %dma_start3A_670, %dma_start3A_671] : memref<1024x128x128xf32, #tpu.memory_space<hbm>> -> memref<2x128x128xf32, #tpu.memory_space<hbm>>
        %dma_start3A_673 = arith.constant 0 : i32
        %dma_start3A_674 = arith.constant 0 : i32
        %dma_start3A_675 = tpu.memref_slice %arg6[%add3A_663, %dma_start3A_673, %dma_start3A_674] : memref<1024x128x128xf32, #tpu.memory_space<hbm>> -> memref<2x128x128xf32, #tpu.memory_space<hbm>>
        %dma_start3A_676 = arith.constant 0 : i32
        %dma_start3A_677 = arith.constant 0 : i32
        %dma_start3A_678 = arith.constant 0 : i32
        %dma_start3A_679 = tpu.memref_slice %arg10[%dma_start3A_664, %dma_start3A_676, %dma_start3A_677, %dma_start3A_678] : memref<3x2x128x128xf32, #tpu.memory_space<vmem>> -> memref<1x2x128x128xf32, #tpu.memory_space<vmem>>
        %dma_start3A_680 = tpu.memref_squeeze %dma_start3A_679 : memref<1x2x128x128xf32, #tpu.memory_space<vmem>> -> memref<2x128x128xf32, #tpu.memory_space<vmem>>
        tpu.enqueue_dma source(%dma_start3A_680 : memref<2x128x128xf32, #tpu.memory_space<vmem>>) target(%dma_start3A_675 : memref<2x128x128xf32, #tpu.memory_space<hbm>>) target_semaphore(%arg12 : memref<!tpu.dma_semaphore, #tpu.memory_space<semaphore_mem>>)
      } else {
      }
      %mul3A_309 = arith.constant 3 : i32
      %mul3A_310 = arith.muli %mul3A_309, %scan3A_284 : i32
      %add3A_311 = arith.constant 0 : i32
      %add3A_312 = arith.addi %mul3A_310, %add3A_311 : i32
      %gt3A_313 = arith.constant 0 : i32
      %gt3A_314 = arith.cmpi sgt, %scan3A_284, %gt3A_313 : i32
      %convert_element_type3A_315 = arith.extui %gt3A_314 : i1 to i32
      %cond3A_316 = arith.constant 0 : i32
      %cond3A_317 = arith.cmpi ne, %convert_element_type3A_315, %cond3A_316 : i32
      scf.if %cond3A_317 {
        %dma_wait3A_638 = arith.constant 1 : i32
        %dma_wait3A_639 = arith.constant 0 : i32
        %dma_wait3A_640 = arith.constant 0 : i32
        %dma_wait3A_641 = arith.constant 0 : i32
        %dma_wait3A_642 = tpu.memref_slice %arg10[%dma_wait3A_638, %dma_wait3A_639, %dma_wait3A_640, %dma_wait3A_641] : memref<3x2x128x128xf32, #tpu.memory_space<vmem>> -> memref<1x2x128x128xf32, #tpu.memory_space<vmem>>
        %dma_wait3A_643 = tpu.memref_squeeze %dma_wait3A_642 : memref<1x2x128x128xf32, #tpu.memory_space<vmem>> -> memref<2x128x128xf32, #tpu.memory_space<vmem>>
        %dma_wait3A_644 = arith.constant 0 : i32
        %dma_wait3A_645 = arith.constant 0 : i32
        %dma_wait3A_646 = arith.constant 0 : i32
        %dma_wait3A_647 = tpu.memref_slice %arg2[%dma_wait3A_644, %dma_wait3A_645, %dma_wait3A_646] : memref<1024x128x128xf32, #tpu.memory_space<hbm>> -> memref<2x128x128xf32, #tpu.memory_space<hbm>>
        %dma_wait3A_648 = arith.constant 0 : i32
        %dma_wait3A_649 = arith.constant 0 : i32
        %dma_wait3A_650 = arith.constant 0 : i32
        %dma_wait3A_651 = tpu.memref_slice %arg10[%dma_wait3A_638, %dma_wait3A_648, %dma_wait3A_649, %dma_wait3A_650] : memref<3x2x128x128xf32, #tpu.memory_space<vmem>> -> memref<1x2x128x128xf32, #tpu.memory_space<vmem>>
        %dma_wait3A_652 = tpu.memref_squeeze %dma_wait3A_651 : memref<1x2x128x128xf32, #tpu.memory_space<vmem>> -> memref<2x128x128xf32, #tpu.memory_space<vmem>>
        %dma_wait3A_653 = arith.constant 0 : i32
        %dma_wait3A_654 = arith.constant 0 : i32
        %dma_wait3A_655 = arith.constant 0 : i32
        %dma_wait3A_656 = tpu.memref_slice %arg2[%dma_wait3A_653, %dma_wait3A_654, %dma_wait3A_655] : memref<1024x128x128xf32, #tpu.memory_space<hbm>> -> memref<2x128x128xf32, #tpu.memory_space<hbm>>
        tpu.wait_dma2 semaphore(%arg12 : memref<!tpu.dma_semaphore, #tpu.memory_space<semaphore_mem>>) src(%dma_wait3A_656 : memref<2x128x128xf32, #tpu.memory_space<hbm>>) dst(%dma_wait3A_652 : memref<2x128x128xf32, #tpu.memory_space<vmem>>)
      } else {
      }
      %dma_start3A_318 = arith.constant 1 : i32
      %dma_start3A_319 = arith.constant 0 : i32
      %dma_start3A_320 = arith.constant 0 : i32
      %dma_start3A_321 = arith.constant 0 : i32
      %dma_start3A_322 = tpu.memref_slice %arg10[%dma_start3A_318, %dma_start3A_319, %dma_start3A_320, %dma_start3A_321] : memref<3x2x128x128xf32, #tpu.memory_space<vmem>> -> memref<1x2x128x128xf32, #tpu.memory_space<vmem>>
      %dma_start3A_323 = tpu.memref_squeeze %dma_start3A_322 : memref<1x2x128x128xf32, #tpu.memory_space<vmem>> -> memref<2x128x128xf32, #tpu.memory_space<vmem>>
      %dma_start3A_324 = arith.constant 0 : i32
      %dma_start3A_325 = tpu.memref_slice %arg9[%add3A_312, %dma_start3A_324] : memref<16x2xi32, #tpu.memory_space<vmem>> -> memref<1x2xi32, #tpu.memory_space<vmem>>
      %dma_start3A_326 = tpu.memref_squeeze %dma_start3A_325 : memref<1x2xi32, #tpu.memory_space<vmem>> -> memref<2xi32, #tpu.memory_space<vmem>>
      %dma_start3A_327 = arith.constant 0 : i32
      %dma_start3A_328 = arith.constant 0 : i32
      %dma_start3A_329 = arith.constant 0 : i32
      %dma_start3A_330 = tpu.memref_slice %arg3[%dma_start3A_327, %dma_start3A_328, %dma_start3A_329] : memref<1024x128x128xf32, #tpu.memory_space<hbm>> -> memref<1024x128x128xf32, #tpu.memory_space<hbm>>
      tpu.enqueue_indirect_dma source(%dma_start3A_330 : memref<1024x128x128xf32, #tpu.memory_space<hbm>>) target(%dma_start3A_323 : memref<2x128x128xf32, #tpu.memory_space<vmem>>) offsets(%dma_start3A_326 : memref<2xi32, #tpu.memory_space<vmem>>) semaphore(%arg11 : memref<!tpu.dma_semaphore, #tpu.memory_space<semaphore_mem>>)
      %gt3A_331 = arith.constant 0 : i32
      %gt3A_332 = arith.cmpi sgt, %scan3A_284, %gt3A_331 : i32
      %convert_element_type3A_333 = arith.extui %gt3A_332 : i1 to i32
      %cond3A_334 = arith.constant 0 : i32
      %cond3A_335 = arith.cmpi ne, %convert_element_type3A_333, %cond3A_334 : i32
      scf.if %cond3A_335 {
        %dma_wait3A_638 = arith.constant 2 : i32
        %dma_wait3A_639 = arith.constant 0 : i32
        %dma_wait3A_640 = arith.constant 0 : i32
        %dma_wait3A_641 = arith.constant 0 : i32
        %dma_wait3A_642 = tpu.memref_slice %arg10[%dma_wait3A_638, %dma_wait3A_639, %dma_wait3A_640, %dma_wait3A_641] : memref<3x2x128x128xf32, #tpu.memory_space<vmem>> -> memref<1x2x128x128xf32, #tpu.memory_space<vmem>>
        %dma_wait3A_643 = tpu.memref_squeeze %dma_wait3A_642 : memref<1x2x128x128xf32, #tpu.memory_space<vmem>> -> memref<2x128x128xf32, #tpu.memory_space<vmem>>
        %dma_wait3A_644 = arith.constant 0 : i32
        %dma_wait3A_645 = arith.constant 0 : i32
        %dma_wait3A_646 = arith.constant 0 : i32
        %dma_wait3A_647 = tpu.memref_slice %arg2[%dma_wait3A_644, %dma_wait3A_645, %dma_wait3A_646] : memref<1024x128x128xf32, #tpu.memory_space<hbm>> -> memref<2x128x128xf32, #tpu.memory_space<hbm>>
        %dma_wait3A_648 = arith.constant 0 : i32
        %dma_wait3A_649 = arith.constant 0 : i32
        %dma_wait3A_650 = arith.constant 0 : i32
        %dma_wait3A_651 = tpu.memref_slice %arg10[%dma_wait3A_638, %dma_wait3A_648, %dma_wait3A_649, %dma_wait3A_650] : memref<3x2x128x128xf32, #tpu.memory_space<vmem>> -> memref<1x2x128x128xf32, #tpu.memory_space<vmem>>
        %dma_wait3A_652 = tpu.memref_squeeze %dma_wait3A_651 : memref<1x2x128x128xf32, #tpu.memory_space<vmem>> -> memref<2x128x128xf32, #tpu.memory_space<vmem>>
        %dma_wait3A_653 = arith.constant 0 : i32
        %dma_wait3A_654 = arith.constant 0 : i32
        %dma_wait3A_655 = arith.constant 0 : i32
        %dma_wait3A_656 = tpu.memref_slice %arg2[%dma_wait3A_653, %dma_wait3A_654, %dma_wait3A_655] : memref<1024x128x128xf32, #tpu.memory_space<hbm>> -> memref<2x128x128xf32, #tpu.memory_space<hbm>>
        tpu.wait_dma2 semaphore(%arg11 : memref<!tpu.dma_semaphore, #tpu.memory_space<semaphore_mem>>) src(%dma_wait3A_656 : memref<2x128x128xf32, #tpu.memory_space<hbm>>) dst(%dma_wait3A_652 : memref<2x128x128xf32, #tpu.memory_space<vmem>>)
        %mul3A_657 = arith.constant 3 : i32
        %mul3A_658 = arith.muli %mul3A_657, %scan3A_284 : i32
        %add3A_659 = arith.constant -1 : i32
        %add3A_660 = arith.addi %mul3A_658, %add3A_659 : i32
        %mul3A_661 = arith.constant 2 : i32
        %mul3A_662 = arith.muli %add3A_660, %mul3A_661 : i32
        %add3A_663 = arith.addi %mul3A_2, %mul3A_662 : i32
        %dma_start3A_664 = arith.constant 2 : i32
        %dma_start3A_665 = arith.constant 0 : i32
        %dma_start3A_666 = arith.constant 0 : i32
        %dma_start3A_667 = arith.constant 0 : i32
        %dma_start3A_668 = tpu.memref_slice %arg10[%dma_start3A_664, %dma_start3A_665, %dma_start3A_666, %dma_start3A_667] : memref<3x2x128x128xf32, #tpu.memory_space<vmem>> -> memref<1x2x128x128xf32, #tpu.memory_space<vmem>>
        %dma_start3A_669 = tpu.memref_squeeze %dma_start3A_668 : memref<1x2x128x128xf32, #tpu.memory_space<vmem>> -> memref<2x128x128xf32, #tpu.memory_space<vmem>>
        %dma_start3A_670 = arith.constant 0 : i32
        %dma_start3A_671 = arith.constant 0 : i32
        %dma_start3A_672 = tpu.memref_slice %arg7[%add3A_663, %dma_start3A_670, %dma_start3A_671] : memref<1024x128x128xf32, #tpu.memory_space<hbm>> -> memref<2x128x128xf32, #tpu.memory_space<hbm>>
        %dma_start3A_673 = arith.constant 0 : i32
        %dma_start3A_674 = arith.constant 0 : i32
        %dma_start3A_675 = tpu.memref_slice %arg7[%add3A_663, %dma_start3A_673, %dma_start3A_674] : memref<1024x128x128xf32, #tpu.memory_space<hbm>> -> memref<2x128x128xf32, #tpu.memory_space<hbm>>
        %dma_start3A_676 = arith.constant 0 : i32
        %dma_start3A_677 = arith.constant 0 : i32
        %dma_start3A_678 = arith.constant 0 : i32
        %dma_start3A_679 = tpu.memref_slice %arg10[%dma_start3A_664, %dma_start3A_676, %dma_start3A_677, %dma_start3A_678] : memref<3x2x128x128xf32, #tpu.memory_space<vmem>> -> memref<1x2x128x128xf32, #tpu.memory_space<vmem>>
        %dma_start3A_680 = tpu.memref_squeeze %dma_start3A_679 : memref<1x2x128x128xf32, #tpu.memory_space<vmem>> -> memref<2x128x128xf32, #tpu.memory_space<vmem>>
        tpu.enqueue_dma source(%dma_start3A_680 : memref<2x128x128xf32, #tpu.memory_space<vmem>>) target(%dma_start3A_675 : memref<2x128x128xf32, #tpu.memory_space<hbm>>) target_semaphore(%arg12 : memref<!tpu.dma_semaphore, #tpu.memory_space<semaphore_mem>>)
      } else {
      }
      %mul3A_336 = arith.constant 3 : i32
      %mul3A_337 = arith.muli %mul3A_336, %scan3A_284 : i32
      %add3A_338 = arith.constant 1 : i32
      %add3A_339 = arith.addi %mul3A_337, %add3A_338 : i32
      %gt3A_340 = arith.constant 0 : i32
      %gt3A_341 = arith.cmpi sgt, %scan3A_284, %gt3A_340 : i32
      %convert_element_type3A_342 = arith.extui %gt3A_341 : i1 to i32
      %cond3A_343 = arith.constant 0 : i32
      %cond3A_344 = arith.cmpi ne, %convert_element_type3A_342, %cond3A_343 : i32
      scf.if %cond3A_344 {
        %dma_wait3A_638 = arith.constant 2 : i32
        %dma_wait3A_639 = arith.constant 0 : i32
        %dma_wait3A_640 = arith.constant 0 : i32
        %dma_wait3A_641 = arith.constant 0 : i32
        %dma_wait3A_642 = tpu.memref_slice %arg10[%dma_wait3A_638, %dma_wait3A_639, %dma_wait3A_640, %dma_wait3A_641] : memref<3x2x128x128xf32, #tpu.memory_space<vmem>> -> memref<1x2x128x128xf32, #tpu.memory_space<vmem>>
        %dma_wait3A_643 = tpu.memref_squeeze %dma_wait3A_642 : memref<1x2x128x128xf32, #tpu.memory_space<vmem>> -> memref<2x128x128xf32, #tpu.memory_space<vmem>>
        %dma_wait3A_644 = arith.constant 0 : i32
        %dma_wait3A_645 = arith.constant 0 : i32
        %dma_wait3A_646 = arith.constant 0 : i32
        %dma_wait3A_647 = tpu.memref_slice %arg2[%dma_wait3A_644, %dma_wait3A_645, %dma_wait3A_646] : memref<1024x128x128xf32, #tpu.memory_space<hbm>> -> memref<2x128x128xf32, #tpu.memory_space<hbm>>
        %dma_wait3A_648 = arith.constant 0 : i32
        %dma_wait3A_649 = arith.constant 0 : i32
        %dma_wait3A_650 = arith.constant 0 : i32
        %dma_wait3A_651 = tpu.memref_slice %arg10[%dma_wait3A_638, %dma_wait3A_648, %dma_wait3A_649, %dma_wait3A_650] : memref<3x2x128x128xf32, #tpu.memory_space<vmem>> -> memref<1x2x128x128xf32, #tpu.memory_space<vmem>>
        %dma_wait3A_652 = tpu.memref_squeeze %dma_wait3A_651 : memref<1x2x128x128xf32, #tpu.memory_space<vmem>> -> memref<2x128x128xf32, #tpu.memory_space<vmem>>
        %dma_wait3A_653 = arith.constant 0 : i32
        %dma_wait3A_654 = arith.constant 0 : i32
        %dma_wait3A_655 = arith.constant 0 : i32
        %dma_wait3A_656 = tpu.memref_slice %arg2[%dma_wait3A_653, %dma_wait3A_654, %dma_wait3A_655] : memref<1024x128x128xf32, #tpu.memory_space<hbm>> -> memref<2x128x128xf32, #tpu.memory_space<hbm>>
        tpu.wait_dma2 semaphore(%arg12 : memref<!tpu.dma_semaphore, #tpu.memory_space<semaphore_mem>>) src(%dma_wait3A_656 : memref<2x128x128xf32, #tpu.memory_space<hbm>>) dst(%dma_wait3A_652 : memref<2x128x128xf32, #tpu.memory_space<vmem>>)
      } else {
      }
      %dma_start3A_345 = arith.constant 2 : i32
      %dma_start3A_346 = arith.constant 0 : i32
      %dma_start3A_347 = arith.constant 0 : i32
      %dma_start3A_348 = arith.constant 0 : i32
      %dma_start3A_349 = tpu.memref_slice %arg10[%dma_start3A_345, %dma_start3A_346, %dma_start3A_347, %dma_start3A_348] : memref<3x2x128x128xf32, #tpu.memory_space<vmem>> -> memref<1x2x128x128xf32, #tpu.memory_space<vmem>>
      %dma_start3A_350 = tpu.memref_squeeze %dma_start3A_349 : memref<1x2x128x128xf32, #tpu.memory_space<vmem>> -> memref<2x128x128xf32, #tpu.memory_space<vmem>>
      %dma_start3A_351 = arith.constant 0 : i32
      %dma_start3A_352 = tpu.memref_slice %arg8[%add3A_339, %dma_start3A_351] : memref<16x2xi32, #tpu.memory_space<vmem>> -> memref<1x2xi32, #tpu.memory_space<vmem>>
      %dma_start3A_353 = tpu.memref_squeeze %dma_start3A_352 : memref<1x2xi32, #tpu.memory_space<vmem>> -> memref<2xi32, #tpu.memory_space<vmem>>
      %dma_start3A_354 = arith.constant 0 : i32
      %dma_start3A_355 = arith.constant 0 : i32
      %dma_start3A_356 = arith.constant 0 : i32
      %dma_start3A_357 = tpu.memref_slice %arg2[%dma_start3A_354, %dma_start3A_355, %dma_start3A_356] : memref<1024x128x128xf32, #tpu.memory_space<hbm>> -> memref<1024x128x128xf32, #tpu.memory_space<hbm>>
      tpu.enqueue_indirect_dma source(%dma_start3A_357 : memref<1024x128x128xf32, #tpu.memory_space<hbm>>) target(%dma_start3A_350 : memref<2x128x128xf32, #tpu.memory_space<vmem>>) offsets(%dma_start3A_353 : memref<2xi32, #tpu.memory_space<vmem>>) semaphore(%arg11 : memref<!tpu.dma_semaphore, #tpu.memory_space<semaphore_mem>>)
      %dma_wait3A_358 = arith.constant 0 : i32
      %dma_wait3A_359 = arith.constant 0 : i32
      %dma_wait3A_360 = arith.constant 0 : i32
      %dma_wait3A_361 = arith.constant 0 : i32
      %dma_wait3A_362 = tpu.memref_slice %arg10[%dma_wait3A_358, %dma_wait3A_359, %dma_wait3A_360, %dma_wait3A_361] : memref<3x2x128x128xf32, #tpu.memory_space<vmem>> -> memref<1x2x128x128xf32, #tpu.memory_space<vmem>>
      %dma_wait3A_363 = tpu.memref_squeeze %dma_wait3A_362 : memref<1x2x128x128xf32, #tpu.memory_space<vmem>> -> memref<2x128x128xf32, #tpu.memory_space<vmem>>
      %dma_wait3A_364 = arith.constant 0 : i32
      %dma_wait3A_365 = arith.constant 0 : i32
      %dma_wait3A_366 = arith.constant 0 : i32
      %dma_wait3A_367 = tpu.memref_slice %arg2[%dma_wait3A_364, %dma_wait3A_365, %dma_wait3A_366] : memref<1024x128x128xf32, #tpu.memory_space<hbm>> -> memref<2x128x128xf32, #tpu.memory_space<hbm>>
      %dma_wait3A_368 = arith.constant 0 : i32
      %dma_wait3A_369 = arith.constant 0 : i32
      %dma_wait3A_370 = arith.constant 0 : i32
      %dma_wait3A_371 = tpu.memref_slice %arg10[%dma_wait3A_358, %dma_wait3A_368, %dma_wait3A_369, %dma_wait3A_370] : memref<3x2x128x128xf32, #tpu.memory_space<vmem>> -> memref<1x2x128x128xf32, #tpu.memory_space<vmem>>
      %dma_wait3A_372 = tpu.memref_squeeze %dma_wait3A_371 : memref<1x2x128x128xf32, #tpu.memory_space<vmem>> -> memref<2x128x128xf32, #tpu.memory_space<vmem>>
      %dma_wait3A_373 = arith.constant 0 : i32
      %dma_wait3A_374 = arith.constant 0 : i32
      %dma_wait3A_375 = arith.constant 0 : i32
      %dma_wait3A_376 = tpu.memref_slice %arg2[%dma_wait3A_373, %dma_wait3A_374, %dma_wait3A_375] : memref<1024x128x128xf32, #tpu.memory_space<hbm>> -> memref<2x128x128xf32, #tpu.memory_space<hbm>>
      tpu.wait_dma2 semaphore(%arg11 : memref<!tpu.dma_semaphore, #tpu.memory_space<semaphore_mem>>) src(%dma_wait3A_376 : memref<2x128x128xf32, #tpu.memory_space<hbm>>) dst(%dma_wait3A_372 : memref<2x128x128xf32, #tpu.memory_space<vmem>>)
      %mul3A_377 = arith.constant 3 : i32
      %mul3A_378 = arith.muli %mul3A_377, %scan3A_284 : i32
      %add3A_379 = arith.constant 0 : i32
      %add3A_380 = arith.addi %mul3A_378, %add3A_379 : i32
      %mul3A_381 = arith.constant 2 : i32
      %mul3A_382 = arith.muli %add3A_380, %mul3A_381 : i32
      %add3A_383 = arith.addi %mul3A_2, %mul3A_382 : i32
      %dma_start3A_384 = arith.constant 0 : i32
      %dma_start3A_385 = arith.constant 0 : i32
      %dma_start3A_386 = arith.constant 0 : i32
      %dma_start3A_387 = arith.constant 0 : i32
      %dma_start3A_388 = tpu.memref_slice %arg10[%dma_start3A_384, %dma_start3A_385, %dma_start3A_386, %dma_start3A_387] : memref<3x2x128x128xf32, #tpu.memory_space<vmem>> -> memref<1x2x128x128xf32, #tpu.memory_space<vmem>>
      %dma_start3A_389 = tpu.memref_squeeze %dma_start3A_388 : memref<1x2x128x128xf32, #tpu.memory_space<vmem>> -> memref<2x128x128xf32, #tpu.memory_space<vmem>>
      %dma_start3A_390 = arith.constant 0 : i32
      %dma_start3A_391 = arith.constant 0 : i32
      %dma_start3A_392 = tpu.memref_slice %arg6[%add3A_383, %dma_start3A_390, %dma_start3A_391] : memref<1024x128x128xf32, #tpu.memory_space<hbm>> -> memref<2x128x128xf32, #tpu.memory_space<hbm>>
      %dma_start3A_393 = arith.constant 0 : i32
      %dma_start3A_394 = arith.constant 0 : i32
      %dma_start3A_395 = tpu.memref_slice %arg6[%add3A_383, %dma_start3A_393, %dma_start3A_394] : memref<1024x128x128xf32, #tpu.memory_space<hbm>> -> memref<2x128x128xf32, #tpu.memory_space<hbm>>
      %dma_start3A_396 = arith.constant 0 : i32
      %dma_start3A_397 = arith.constant 0 : i32
      %dma_start3A_398 = arith.constant 0 : i32
      %dma_start3A_399 = tpu.memref_slice %arg10[%dma_start3A_384, %dma_start3A_396, %dma_start3A_397, %dma_start3A_398] : memref<3x2x128x128xf32, #tpu.memory_space<vmem>> -> memref<1x2x128x128xf32, #tpu.memory_space<vmem>>
      %dma_start3A_400 = tpu.memref_squeeze %dma_start3A_399 : memref<1x2x128x128xf32, #tpu.memory_space<vmem>> -> memref<2x128x128xf32, #tpu.memory_space<vmem>>
      tpu.enqueue_dma source(%dma_start3A_400 : memref<2x128x128xf32, #tpu.memory_space<vmem>>) target(%dma_start3A_395 : memref<2x128x128xf32, #tpu.memory_space<hbm>>) target_semaphore(%arg12 : memref<!tpu.dma_semaphore, #tpu.memory_space<semaphore_mem>>)
      %mul3A_401 = arith.constant 3 : i32
      %mul3A_402 = arith.muli %mul3A_401, %scan3A_284 : i32
      %add3A_403 = arith.constant 1 : i32
      %add3A_404 = arith.addi %mul3A_402, %add3A_403 : i32
      %dma_wait3A_405 = arith.constant 0 : i32
      %dma_wait3A_406 = arith.constant 0 : i32
      %dma_wait3A_407 = arith.constant 0 : i32
      %dma_wait3A_408 = arith.constant 0 : i32
      %dma_wait3A_409 = tpu.memref_slice %arg10[%dma_wait3A_405, %dma_wait3A_406, %dma_wait3A_407, %dma_wait3A_408] : memref<3x2x128x128xf32, #tpu.memory_space<vmem>> -> memref<1x2x128x128xf32, #tpu.memory_space<vmem>>
      %dma_wait3A_410 = tpu.memref_squeeze %dma_wait3A_409 : memref<1x2x128x128xf32, #tpu.memory_space<vmem>> -> memref<2x128x128xf32, #tpu.memory_space<vmem>>
      %dma_wait3A_411 = arith.constant 0 : i32
      %dma_wait3A_412 = arith.constant 0 : i32
      %dma_wait3A_413 = arith.constant 0 : i32
      %dma_wait3A_414 = tpu.memref_slice %arg2[%dma_wait3A_411, %dma_wait3A_412, %dma_wait3A_413] : memref<1024x128x128xf32, #tpu.memory_space<hbm>> -> memref<2x128x128xf32, #tpu.memory_space<hbm>>
      %dma_wait3A_415 = arith.constant 0 : i32
      %dma_wait3A_416 = arith.constant 0 : i32
      %dma_wait3A_417 = arith.constant 0 : i32
      %dma_wait3A_418 = tpu.memref_slice %arg10[%dma_wait3A_405, %dma_wait3A_415, %dma_wait3A_416, %dma_wait3A_417] : memref<3x2x128x128xf32, #tpu.memory_space<vmem>> -> memref<1x2x128x128xf32, #tpu.memory_space<vmem>>
      %dma_wait3A_419 = tpu.memref_squeeze %dma_wait3A_418 : memref<1x2x128x128xf32, #tpu.memory_space<vmem>> -> memref<2x128x128xf32, #tpu.memory_space<vmem>>
      %dma_wait3A_420 = arith.constant 0 : i32
      %dma_wait3A_421 = arith.constant 0 : i32
      %dma_wait3A_422 = arith.constant 0 : i32
      %dma_wait3A_423 = tpu.memref_slice %arg2[%dma_wait3A_420, %dma_wait3A_421, %dma_wait3A_422] : memref<1024x128x128xf32, #tpu.memory_space<hbm>> -> memref<2x128x128xf32, #tpu.memory_space<hbm>>
      tpu.wait_dma2 semaphore(%arg12 : memref<!tpu.dma_semaphore, #tpu.memory_space<semaphore_mem>>) src(%dma_wait3A_423 : memref<2x128x128xf32, #tpu.memory_space<hbm>>) dst(%dma_wait3A_419 : memref<2x128x128xf32, #tpu.memory_space<vmem>>)
      %dma_start3A_424 = arith.constant 0 : i32
      %dma_start3A_425 = arith.constant 0 : i32
      %dma_start3A_426 = arith.constant 0 : i32
      %dma_start3A_427 = arith.constant 0 : i32
      %dma_start3A_428 = tpu.memref_slice %arg10[%dma_start3A_424, %dma_start3A_425, %dma_start3A_426, %dma_start3A_427] : memref<3x2x128x128xf32, #tpu.memory_space<vmem>> -> memref<1x2x128x128xf32, #tpu.memory_space<vmem>>
      %dma_start3A_429 = tpu.memref_squeeze %dma_start3A_428 : memref<1x2x128x128xf32, #tpu.memory_space<vmem>> -> memref<2x128x128xf32, #tpu.memory_space<vmem>>
      %dma_start3A_430 = arith.constant 0 : i32
      %dma_start3A_431 = tpu.memref_slice %arg9[%add3A_404, %dma_start3A_430] : memref<16x2xi32, #tpu.memory_space<vmem>> -> memref<1x2xi32, #tpu.memory_space<vmem>>
      %dma_start3A_432 = tpu.memref_squeeze %dma_start3A_431 : memref<1x2xi32, #tpu.memory_space<vmem>> -> memref<2xi32, #tpu.memory_space<vmem>>
      %dma_start3A_433 = arith.constant 0 : i32
      %dma_start3A_434 = arith.constant 0 : i32
      %dma_start3A_435 = arith.constant 0 : i32
      %dma_start3A_436 = tpu.memref_slice %arg3[%dma_start3A_433, %dma_start3A_434, %dma_start3A_435] : memref<1024x128x128xf32, #tpu.memory_space<hbm>> -> memref<1024x128x128xf32, #tpu.memory_space<hbm>>
      tpu.enqueue_indirect_dma source(%dma_start3A_436 : memref<1024x128x128xf32, #tpu.memory_space<hbm>>) target(%dma_start3A_429 : memref<2x128x128xf32, #tpu.memory_space<vmem>>) offsets(%dma_start3A_432 : memref<2xi32, #tpu.memory_space<vmem>>) semaphore(%arg11 : memref<!tpu.dma_semaphore, #tpu.memory_space<semaphore_mem>>)
      %dma_wait3A_437 = arith.constant 1 : i32
      %dma_wait3A_438 = arith.constant 0 : i32
      %dma_wait3A_439 = arith.constant 0 : i32
      %dma_wait3A_440 = arith.constant 0 : i32
      %dma_wait3A_441 = tpu.memref_slice %arg10[%dma_wait3A_437, %dma_wait3A_438, %dma_wait3A_439, %dma_wait3A_440] : memref<3x2x128x128xf32, #tpu.memory_space<vmem>> -> memref<1x2x128x128xf32, #tpu.memory_space<vmem>>
      %dma_wait3A_442 = tpu.memref_squeeze %dma_wait3A_441 : memref<1x2x128x128xf32, #tpu.memory_space<vmem>> -> memref<2x128x128xf32, #tpu.memory_space<vmem>>
      %dma_wait3A_443 = arith.constant 0 : i32
      %dma_wait3A_444 = arith.constant 0 : i32
      %dma_wait3A_445 = arith.constant 0 : i32
      %dma_wait3A_446 = tpu.memref_slice %arg2[%dma_wait3A_443, %dma_wait3A_444, %dma_wait3A_445] : memref<1024x128x128xf32, #tpu.memory_space<hbm>> -> memref<2x128x128xf32, #tpu.memory_space<hbm>>
      %dma_wait3A_447 = arith.constant 0 : i32
      %dma_wait3A_448 = arith.constant 0 : i32
      %dma_wait3A_449 = arith.constant 0 : i32
      %dma_wait3A_450 = tpu.memref_slice %arg10[%dma_wait3A_437, %dma_wait3A_447, %dma_wait3A_448, %dma_wait3A_449] : memref<3x2x128x128xf32, #tpu.memory_space<vmem>> -> memref<1x2x128x128xf32, #tpu.memory_space<vmem>>
      %dma_wait3A_451 = tpu.memref_squeeze %dma_wait3A_450 : memref<1x2x128x128xf32, #tpu.memory_space<vmem>> -> memref<2x128x128xf32, #tpu.memory_space<vmem>>
      %dma_wait3A_452 = arith.constant 0 : i32
      %dma_wait3A_453 = arith.constant 0 : i32
      %dma_wait3A_454 = arith.constant 0 : i32
      %dma_wait3A_455 = tpu.memref_slice %arg2[%dma_wait3A_452, %dma_wait3A_453, %dma_wait3A_454] : memref<1024x128x128xf32, #tpu.memory_space<hbm>> -> memref<2x128x128xf32, #tpu.memory_space<hbm>>
      tpu.wait_dma2 semaphore(%arg11 : memref<!tpu.dma_semaphore, #tpu.memory_space<semaphore_mem>>) src(%dma_wait3A_455 : memref<2x128x128xf32, #tpu.memory_space<hbm>>) dst(%dma_wait3A_451 : memref<2x128x128xf32, #tpu.memory_space<vmem>>)
      %mul3A_456 = arith.constant 3 : i32
      %mul3A_457 = arith.muli %mul3A_456, %scan3A_284 : i32
      %add3A_458 = arith.constant 0 : i32
      %add3A_459 = arith.addi %mul3A_457, %add3A_458 : i32
      %mul3A_460 = arith.constant 2 : i32
      %mul3A_461 = arith.muli %add3A_459, %mul3A_460 : i32
      %add3A_462 = arith.addi %mul3A_2, %mul3A_461 : i32
      %dma_start3A_463 = arith.constant 1 : i32
      %dma_start3A_464 = arith.constant 0 : i32
      %dma_start3A_465 = arith.constant 0 : i32
      %dma_start3A_466 = arith.constant 0 : i32
      %dma_start3A_467 = tpu.memref_slice %arg10[%dma_start3A_463, %dma_start3A_464, %dma_start3A_465, %dma_start3A_466] : memref<3x2x128x128xf32, #tpu.memory_space<vmem>> -> memref<1x2x128x128xf32, #tpu.memory_space<vmem>>
      %dma_start3A_468 = tpu.memref_squeeze %dma_start3A_467 : memref<1x2x128x128xf32, #tpu.memory_space<vmem>> -> memref<2x128x128xf32, #tpu.memory_space<vmem>>
      %dma_start3A_469 = arith.constant 0 : i32
      %dma_start3A_470 = arith.constant 0 : i32
      %dma_start3A_471 = tpu.memref_slice %arg7[%add3A_462, %dma_start3A_469, %dma_start3A_470] : memref<1024x128x128xf32, #tpu.memory_space<hbm>> -> memref<2x128x128xf32, #tpu.memory_space<hbm>>
      %dma_start3A_472 = arith.constant 0 : i32
      %dma_start3A_473 = arith.constant 0 : i32
      %dma_start3A_474 = tpu.memref_slice %arg7[%add3A_462, %dma_start3A_472, %dma_start3A_473] : memref<1024x128x128xf32, #tpu.memory_space<hbm>> -> memref<2x128x128xf32, #tpu.memory_space<hbm>>
      %dma_start3A_475 = arith.constant 0 : i32
      %dma_start3A_476 = arith.constant 0 : i32
      %dma_start3A_477 = arith.constant 0 : i32
      %dma_start3A_478 = tpu.memref_slice %arg10[%dma_start3A_463, %dma_start3A_475, %dma_start3A_476, %dma_start3A_477] : memref<3x2x128x128xf32, #tpu.memory_space<vmem>> -> memref<1x2x128x128xf32, #tpu.memory_space<vmem>>
      %dma_start3A_479 = tpu.memref_squeeze %dma_start3A_478 : memref<1x2x128x128xf32, #tpu.memory_space<vmem>> -> memref<2x128x128xf32, #tpu.memory_space<vmem>>
      tpu.enqueue_dma source(%dma_start3A_479 : memref<2x128x128xf32, #tpu.memory_space<vmem>>) target(%dma_start3A_474 : memref<2x128x128xf32, #tpu.memory_space<hbm>>) target_semaphore(%arg12 : memref<!tpu.dma_semaphore, #tpu.memory_space<semaphore_mem>>)
      %mul3A_480 = arith.constant 3 : i32
      %mul3A_481 = arith.muli %mul3A_480, %scan3A_284 : i32
      %add3A_482 = arith.constant 2 : i32
      %add3A_483 = arith.addi %mul3A_481, %add3A_482 : i32
      %dma_wait3A_484 = arith.constant 1 : i32
      %dma_wait3A_485 = arith.constant 0 : i32
      %dma_wait3A_486 = arith.constant 0 : i32
      %dma_wait3A_487 = arith.constant 0 : i32
      %dma_wait3A_488 = tpu.memref_slice %arg10[%dma_wait3A_484, %dma_wait3A_485, %dma_wait3A_486, %dma_wait3A_487] : memref<3x2x128x128xf32, #tpu.memory_space<vmem>> -> memref<1x2x128x128xf32, #tpu.memory_space<vmem>>
      %dma_wait3A_489 = tpu.memref_squeeze %dma_wait3A_488 : memref<1x2x128x128xf32, #tpu.memory_space<vmem>> -> memref<2x128x128xf32, #tpu.memory_space<vmem>>
      %dma_wait3A_490 = arith.constant 0 : i32
      %dma_wait3A_491 = arith.constant 0 : i32
      %dma_wait3A_492 = arith.constant 0 : i32
      %dma_wait3A_493 = tpu.memref_slice %arg2[%dma_wait3A_490, %dma_wait3A_491, %dma_wait3A_492] : memref<1024x128x128xf32, #tpu.memory_space<hbm>> -> memref<2x128x128xf32, #tpu.memory_space<hbm>>
      %dma_wait3A_494 = arith.constant 0 : i32
      %dma_wait3A_495 = arith.constant 0 : i32
      %dma_wait3A_496 = arith.constant 0 : i32
      %dma_wait3A_497 = tpu.memref_slice %arg10[%dma_wait3A_484, %dma_wait3A_494, %dma_wait3A_495, %dma_wait3A_496] : memref<3x2x128x128xf32, #tpu.memory_space<vmem>> -> memref<1x2x128x128xf32, #tpu.memory_space<vmem>>
      %dma_wait3A_498 = tpu.memref_squeeze %dma_wait3A_497 : memref<1x2x128x128xf32, #tpu.memory_space<vmem>> -> memref<2x128x128xf32, #tpu.memory_space<vmem>>
      %dma_wait3A_499 = arith.constant 0 : i32
      %dma_wait3A_500 = arith.constant 0 : i32
      %dma_wait3A_501 = arith.constant 0 : i32
      %dma_wait3A_502 = tpu.memref_slice %arg2[%dma_wait3A_499, %dma_wait3A_500, %dma_wait3A_501] : memref<1024x128x128xf32, #tpu.memory_space<hbm>> -> memref<2x128x128xf32, #tpu.memory_space<hbm>>
      tpu.wait_dma2 semaphore(%arg12 : memref<!tpu.dma_semaphore, #tpu.memory_space<semaphore_mem>>) src(%dma_wait3A_502 : memref<2x128x128xf32, #tpu.memory_space<hbm>>) dst(%dma_wait3A_498 : memref<2x128x128xf32, #tpu.memory_space<vmem>>)
      %dma_start3A_503 = arith.constant 1 : i32
      %dma_start3A_504 = arith.constant 0 : i32
      %dma_start3A_505 = arith.constant 0 : i32
      %dma_start3A_506 = arith.constant 0 : i32
      %dma_start3A_507 = tpu.memref_slice %arg10[%dma_start3A_503, %dma_start3A_504, %dma_start3A_505, %dma_start3A_506] : memref<3x2x128x128xf32, #tpu.memory_space<vmem>> -> memref<1x2x128x128xf32, #tpu.memory_space<vmem>>
      %dma_start3A_508 = tpu.memref_squeeze %dma_start3A_507 : memref<1x2x128x128xf32, #tpu.memory_space<vmem>> -> memref<2x128x128xf32, #tpu.memory_space<vmem>>
      %dma_start3A_509 = arith.constant 0 : i32
      %dma_start3A_510 = tpu.memref_slice %arg8[%add3A_483, %dma_start3A_509] : memref<16x2xi32, #tpu.memory_space<vmem>> -> memref<1x2xi32, #tpu.memory_space<vmem>>
      %dma_start3A_511 = tpu.memref_squeeze %dma_start3A_510 : memref<1x2xi32, #tpu.memory_space<vmem>> -> memref<2xi32, #tpu.memory_space<vmem>>
      %dma_start3A_512 = arith.constant 0 : i32
      %dma_start3A_513 = arith.constant 0 : i32
      %dma_start3A_514 = arith.constant 0 : i32
      %dma_start3A_515 = tpu.memref_slice %arg2[%dma_start3A_512, %dma_start3A_513, %dma_start3A_514] : memref<1024x128x128xf32, #tpu.memory_space<hbm>> -> memref<1024x128x128xf32, #tpu.memory_space<hbm>>
      tpu.enqueue_indirect_dma source(%dma_start3A_515 : memref<1024x128x128xf32, #tpu.memory_space<hbm>>) target(%dma_start3A_508 : memref<2x128x128xf32, #tpu.memory_space<vmem>>) offsets(%dma_start3A_511 : memref<2xi32, #tpu.memory_space<vmem>>) semaphore(%arg11 : memref<!tpu.dma_semaphore, #tpu.memory_space<semaphore_mem>>)
      %dma_wait3A_516 = arith.constant 2 : i32
      %dma_wait3A_517 = arith.constant 0 : i32
      %dma_wait3A_518 = arith.constant 0 : i32
      %dma_wait3A_519 = arith.constant 0 : i32
      %dma_wait3A_520 = tpu.memref_slice %arg10[%dma_wait3A_516, %dma_wait3A_517, %dma_wait3A_518, %dma_wait3A_519] : memref<3x2x128x128xf32, #tpu.memory_space<vmem>> -> memref<1x2x128x128xf32, #tpu.memory_space<vmem>>
      %dma_wait3A_521 = tpu.memref_squeeze %dma_wait3A_520 : memref<1x2x128x128xf32, #tpu.memory_space<vmem>> -> memref<2x128x128xf32, #tpu.memory_space<vmem>>
      %dma_wait3A_522 = arith.constant 0 : i32
      %dma_wait3A_523 = arith.constant 0 : i32
      %dma_wait3A_524 = arith.constant 0 : i32
      %dma_wait3A_525 = tpu.memref_slice %arg2[%dma_wait3A_522, %dma_wait3A_523, %dma_wait3A_524] : memref<1024x128x128xf32, #tpu.memory_space<hbm>> -> memref<2x128x128xf32, #tpu.memory_space<hbm>>
      %dma_wait3A_526 = arith.constant 0 : i32
      %dma_wait3A_527 = arith.constant 0 : i32
      %dma_wait3A_528 = arith.constant 0 : i32
      %dma_wait3A_529 = tpu.memref_slice %arg10[%dma_wait3A_516, %dma_wait3A_526, %dma_wait3A_527, %dma_wait3A_528] : memref<3x2x128x128xf32, #tpu.memory_space<vmem>> -> memref<1x2x128x128xf32, #tpu.memory_space<vmem>>
      %dma_wait3A_530 = tpu.memref_squeeze %dma_wait3A_529 : memref<1x2x128x128xf32, #tpu.memory_space<vmem>> -> memref<2x128x128xf32, #tpu.memory_space<vmem>>
      %dma_wait3A_531 = arith.constant 0 : i32
      %dma_wait3A_532 = arith.constant 0 : i32
      %dma_wait3A_533 = arith.constant 0 : i32
      %dma_wait3A_534 = tpu.memref_slice %arg2[%dma_wait3A_531, %dma_wait3A_532, %dma_wait3A_533] : memref<1024x128x128xf32, #tpu.memory_space<hbm>> -> memref<2x128x128xf32, #tpu.memory_space<hbm>>
      tpu.wait_dma2 semaphore(%arg11 : memref<!tpu.dma_semaphore, #tpu.memory_space<semaphore_mem>>) src(%dma_wait3A_534 : memref<2x128x128xf32, #tpu.memory_space<hbm>>) dst(%dma_wait3A_530 : memref<2x128x128xf32, #tpu.memory_space<vmem>>)
      %mul3A_535 = arith.constant 3 : i32
      %mul3A_536 = arith.muli %mul3A_535, %scan3A_284 : i32
      %add3A_537 = arith.constant 1 : i32
      %add3A_538 = arith.addi %mul3A_536, %add3A_537 : i32
      %mul3A_539 = arith.constant 2 : i32
      %mul3A_540 = arith.muli %add3A_538, %mul3A_539 : i32
      %add3A_541 = arith.addi %mul3A_2, %mul3A_540 : i32
      %dma_start3A_542 = arith.constant 2 : i32
      %dma_start3A_543 = arith.constant 0 : i32
      %dma_start3A_544 = arith.constant 0 : i32
      %dma_start3A_545 = arith.constant 0 : i32
      %dma_start3A_546 = tpu.memref_slice %arg10[%dma_start3A_542, %dma_start3A_543, %dma_start3A_544, %dma_start3A_545] : memref<3x2x128x128xf32, #tpu.memory_space<vmem>> -> memref<1x2x128x128xf32, #tpu.memory_space<vmem>>
      %dma_start3A_547 = tpu.memref_squeeze %dma_start3A_546 : memref<1x2x128x128xf32, #tpu.memory_space<vmem>> -> memref<2x128x128xf32, #tpu.memory_space<vmem>>
      %dma_start3A_548 = arith.constant 0 : i32
      %dma_start3A_549 = arith.constant 0 : i32
      %dma_start3A_550 = tpu.memref_slice %arg6[%add3A_541, %dma_start3A_548, %dma_start3A_549] : memref<1024x128x128xf32, #tpu.memory_space<hbm>> -> memref<2x128x128xf32, #tpu.memory_space<hbm>>
      %dma_start3A_551 = arith.constant 0 : i32
      %dma_start3A_552 = arith.constant 0 : i32
      %dma_start3A_553 = tpu.memref_slice %arg6[%add3A_541, %dma_start3A_551, %dma_start3A_552] : memref<1024x128x128xf32, #tpu.memory_space<hbm>> -> memref<2x128x128xf32, #tpu.memory_space<hbm>>
      %dma_start3A_554 = arith.constant 0 : i32
      %dma_start3A_555 = arith.constant 0 : i32
      %dma_start3A_556 = arith.constant 0 : i32
      %dma_start3A_557 = tpu.memref_slice %arg10[%dma_start3A_542, %dma_start3A_554, %dma_start3A_555, %dma_start3A_556] : memref<3x2x128x128xf32, #tpu.memory_space<vmem>> -> memref<1x2x128x128xf32, #tpu.memory_space<vmem>>
      %dma_start3A_558 = tpu.memref_squeeze %dma_start3A_557 : memref<1x2x128x128xf32, #tpu.memory_space<vmem>> -> memref<2x128x128xf32, #tpu.memory_space<vmem>>
      tpu.enqueue_dma source(%dma_start3A_558 : memref<2x128x128xf32, #tpu.memory_space<vmem>>) target(%dma_start3A_553 : memref<2x128x128xf32, #tpu.memory_space<hbm>>) target_semaphore(%arg12 : memref<!tpu.dma_semaphore, #tpu.memory_space<semaphore_mem>>)
      %mul3A_559 = arith.constant 3 : i32
      %mul3A_560 = arith.muli %mul3A_559, %scan3A_284 : i32
      %add3A_561 = arith.constant 2 : i32
      %add3A_562 = arith.addi %mul3A_560, %add3A_561 : i32
      %dma_wait3A_563 = arith.constant 2 : i32
      %dma_wait3A_564 = arith.constant 0 : i32
      %dma_wait3A_565 = arith.constant 0 : i32
      %dma_wait3A_566 = arith.constant 0 : i32
      %dma_wait3A_567 = tpu.memref_slice %arg10[%dma_wait3A_563, %dma_wait3A_564, %dma_wait3A_565, %dma_wait3A_566] : memref<3x2x128x128xf32, #tpu.memory_space<vmem>> -> memref<1x2x128x128xf32, #tpu.memory_space<vmem>>
      %dma_wait3A_568 = tpu.memref_squeeze %dma_wait3A_567 : memref<1x2x128x128xf32, #tpu.memory_space<vmem>> -> memref<2x128x128xf32, #tpu.memory_space<vmem>>
      %dma_wait3A_569 = arith.constant 0 : i32
      %dma_wait3A_570 = arith.constant 0 : i32
      %dma_wait3A_571 = arith.constant 0 : i32
      %dma_wait3A_572 = tpu.memref_slice %arg2[%dma_wait3A_569, %dma_wait3A_570, %dma_wait3A_571] : memref<1024x128x128xf32, #tpu.memory_space<hbm>> -> memref<2x128x128xf32, #tpu.memory_space<hbm>>
      %dma_wait3A_573 = arith.constant 0 : i32
      %dma_wait3A_574 = arith.constant 0 : i32
      %dma_wait3A_575 = arith.constant 0 : i32
      %dma_wait3A_576 = tpu.memref_slice %arg10[%dma_wait3A_563, %dma_wait3A_573, %dma_wait3A_574, %dma_wait3A_575] : memref<3x2x128x128xf32, #tpu.memory_space<vmem>> -> memref<1x2x128x128xf32, #tpu.memory_space<vmem>>
      %dma_wait3A_577 = tpu.memref_squeeze %dma_wait3A_576 : memref<1x2x128x128xf32, #tpu.memory_space<vmem>> -> memref<2x128x128xf32, #tpu.memory_space<vmem>>
      %dma_wait3A_578 = arith.constant 0 : i32
      %dma_wait3A_579 = arith.constant 0 : i32
      %dma_wait3A_580 = arith.constant 0 : i32
      %dma_wait3A_581 = tpu.memref_slice %arg2[%dma_wait3A_578, %dma_wait3A_579, %dma_wait3A_580] : memref<1024x128x128xf32, #tpu.memory_space<hbm>> -> memref<2x128x128xf32, #tpu.memory_space<hbm>>
      tpu.wait_dma2 semaphore(%arg12 : memref<!tpu.dma_semaphore, #tpu.memory_space<semaphore_mem>>) src(%dma_wait3A_581 : memref<2x128x128xf32, #tpu.memory_space<hbm>>) dst(%dma_wait3A_577 : memref<2x128x128xf32, #tpu.memory_space<vmem>>)
      %dma_start3A_582 = arith.constant 2 : i32
      %dma_start3A_583 = arith.constant 0 : i32
      %dma_start3A_584 = arith.constant 0 : i32
      %dma_start3A_585 = arith.constant 0 : i32
      %dma_start3A_586 = tpu.memref_slice %arg10[%dma_start3A_582, %dma_start3A_583, %dma_start3A_584, %dma_start3A_585] : memref<3x2x128x128xf32, #tpu.memory_space<vmem>> -> memref<1x2x128x128xf32, #tpu.memory_space<vmem>>
      %dma_start3A_587 = tpu.memref_squeeze %dma_start3A_586 : memref<1x2x128x128xf32, #tpu.memory_space<vmem>> -> memref<2x128x128xf32, #tpu.memory_space<vmem>>
      %dma_start3A_588 = arith.constant 0 : i32
      %dma_start3A_589 = tpu.memref_slice %arg9[%add3A_562, %dma_start3A_588] : memref<16x2xi32, #tpu.memory_space<vmem>> -> memref<1x2xi32, #tpu.memory_space<vmem>>
      %dma_start3A_590 = tpu.memref_squeeze %dma_start3A_589 : memref<1x2xi32, #tpu.memory_space<vmem>> -> memref<2xi32, #tpu.memory_space<vmem>>
      %dma_start3A_591 = arith.constant 0 : i32
      %dma_start3A_592 = arith.constant 0 : i32
      %dma_start3A_593 = arith.constant 0 : i32
      %dma_start3A_594 = tpu.memref_slice %arg3[%dma_start3A_591, %dma_start3A_592, %dma_start3A_593] : memref<1024x128x128xf32, #tpu.memory_space<hbm>> -> memref<1024x128x128xf32, #tpu.memory_space<hbm>>
      tpu.enqueue_indirect_dma source(%dma_start3A_594 : memref<1024x128x128xf32, #tpu.memory_space<hbm>>) target(%dma_start3A_587 : memref<2x128x128xf32, #tpu.memory_space<vmem>>) offsets(%dma_start3A_590 : memref<2xi32, #tpu.memory_space<vmem>>) semaphore(%arg11 : memref<!tpu.dma_semaphore, #tpu.memory_space<semaphore_mem>>)
      %dma_wait3A_595 = arith.constant 0 : i32
      %dma_wait3A_596 = arith.constant 0 : i32
      %dma_wait3A_597 = arith.constant 0 : i32
      %dma_wait3A_598 = arith.constant 0 : i32
      %dma_wait3A_599 = tpu.memref_slice %arg10[%dma_wait3A_595, %dma_wait3A_596, %dma_wait3A_597, %dma_wait3A_598] : memref<3x2x128x128xf32, #tpu.memory_space<vmem>> -> memref<1x2x128x128xf32, #tpu.memory_space<vmem>>
      %dma_wait3A_600 = tpu.memref_squeeze %dma_wait3A_599 : memref<1x2x128x128xf32, #tpu.memory_space<vmem>> -> memref<2x128x128xf32, #tpu.memory_space<vmem>>
      %dma_wait3A_601 = arith.constant 0 : i32
      %dma_wait3A_602 = arith.constant 0 : i32
      %dma_wait3A_603 = arith.constant 0 : i32
      %dma_wait3A_604 = tpu.memref_slice %arg2[%dma_wait3A_601, %dma_wait3A_602, %dma_wait3A_603] : memref<1024x128x128xf32, #tpu.memory_space<hbm>> -> memref<2x128x128xf32, #tpu.memory_space<hbm>>
      %dma_wait3A_605 = arith.constant 0 : i32
      %dma_wait3A_606 = arith.constant 0 : i32
      %dma_wait3A_607 = arith.constant 0 : i32
      %dma_wait3A_608 = tpu.memref_slice %arg10[%dma_wait3A_595, %dma_wait3A_605, %dma_wait3A_606, %dma_wait3A_607] : memref<3x2x128x128xf32, #tpu.memory_space<vmem>> -> memref<1x2x128x128xf32, #tpu.memory_space<vmem>>
      %dma_wait3A_609 = tpu.memref_squeeze %dma_wait3A_608 : memref<1x2x128x128xf32, #tpu.memory_space<vmem>> -> memref<2x128x128xf32, #tpu.memory_space<vmem>>
      %dma_wait3A_610 = arith.constant 0 : i32
      %dma_wait3A_611 = arith.constant 0 : i32
      %dma_wait3A_612 = arith.constant 0 : i32
      %dma_wait3A_613 = tpu.memref_slice %arg2[%dma_wait3A_610, %dma_wait3A_611, %dma_wait3A_612] : memref<1024x128x128xf32, #tpu.memory_space<hbm>> -> memref<2x128x128xf32, #tpu.memory_space<hbm>>
      tpu.wait_dma2 semaphore(%arg11 : memref<!tpu.dma_semaphore, #tpu.memory_space<semaphore_mem>>) src(%dma_wait3A_613 : memref<2x128x128xf32, #tpu.memory_space<hbm>>) dst(%dma_wait3A_609 : memref<2x128x128xf32, #tpu.memory_space<vmem>>)
      %mul3A_614 = arith.constant 3 : i32
      %mul3A_615 = arith.muli %mul3A_614, %scan3A_284 : i32
      %add3A_616 = arith.constant 1 : i32
      %add3A_617 = arith.addi %mul3A_615, %add3A_616 : i32
      %mul3A_618 = arith.constant 2 : i32
      %mul3A_619 = arith.muli %add3A_617, %mul3A_618 : i32
      %add3A_620 = arith.addi %mul3A_2, %mul3A_619 : i32
      %dma_start3A_621 = arith.constant 0 : i32
      %dma_start3A_622 = arith.constant 0 : i32
      %dma_start3A_623 = arith.constant 0 : i32
      %dma_start3A_624 = arith.constant 0 : i32
      %dma_start3A_625 = tpu.memref_slice %arg10[%dma_start3A_621, %dma_start3A_622, %dma_start3A_623, %dma_start3A_624] : memref<3x2x128x128xf32, #tpu.memory_space<vmem>> -> memref<1x2x128x128xf32, #tpu.memory_space<vmem>>
      %dma_start3A_626 = tpu.memref_squeeze %dma_start3A_625 : memref<1x2x128x128xf32, #tpu.memory_space<vmem>> -> memref<2x128x128xf32, #tpu.memory_space<vmem>>
      %dma_start3A_627 = arith.constant 0 : i32
      %dma_start3A_628 = arith.constant 0 : i32
      %dma_start3A_629 = tpu.memref_slice %arg7[%add3A_620, %dma_start3A_627, %dma_start3A_628] : memref<1024x128x128xf32, #tpu.memory_space<hbm>> -> memref<2x128x128xf32, #tpu.memory_space<hbm>>
      %dma_start3A_630 = arith.constant 0 : i32
      %dma_start3A_631 = arith.constant 0 : i32
      %dma_start3A_632 = tpu.memref_slice %arg7[%add3A_620, %dma_start3A_630, %dma_start3A_631] : memref<1024x128x128xf32, #tpu.memory_space<hbm>> -> memref<2x128x128xf32, #tpu.memory_space<hbm>>
      %dma_start3A_633 = arith.constant 0 : i32
      %dma_start3A_634 = arith.constant 0 : i32
      %dma_start3A_635 = arith.constant 0 : i32
      %dma_start3A_636 = tpu.memref_slice %arg10[%dma_start3A_621, %dma_start3A_633, %dma_start3A_634, %dma_start3A_635] : memref<3x2x128x128xf32, #tpu.memory_space<vmem>> -> memref<1x2x128x128xf32, #tpu.memory_space<vmem>>
      %dma_start3A_637 = tpu.memref_squeeze %dma_start3A_636 : memref<1x2x128x128xf32, #tpu.memory_space<vmem>> -> memref<2x128x128xf32, #tpu.memory_space<vmem>>
      tpu.enqueue_dma source(%dma_start3A_637 : memref<2x128x128xf32, #tpu.memory_space<vmem>>) target(%dma_start3A_632 : memref<2x128x128xf32, #tpu.memory_space<hbm>>) target_semaphore(%arg12 : memref<!tpu.dma_semaphore, #tpu.memory_space<semaphore_mem>>)
    }
    %scan3A_10 = arith.constant 5 : i32
    %dma_wait3A = arith.constant 0 : i32
    %dma_wait3A_11 = arith.constant 0 : i32
    %dma_wait3A_12 = arith.constant 0 : i32
    %dma_wait3A_13 = arith.constant 0 : i32
    %dma_wait3A_14 = tpu.memref_slice %arg10[%dma_wait3A, %dma_wait3A_11, %dma_wait3A_12, %dma_wait3A_13] : memref<3x2x128x128xf32, #tpu.memory_space<vmem>> -> memref<1x2x128x128xf32, #tpu.memory_space<vmem>>
    %dma_wait3A_15 = tpu.memref_squeeze %dma_wait3A_14 : memref<1x2x128x128xf32, #tpu.memory_space<vmem>> -> memref<2x128x128xf32, #tpu.memory_space<vmem>>
    %dma_wait3A_16 = arith.constant 0 : i32
    %dma_wait3A_17 = arith.constant 0 : i32
    %dma_wait3A_18 = arith.constant 0 : i32
    %dma_wait3A_19 = tpu.memref_slice %arg2[%dma_wait3A_16, %dma_wait3A_17, %dma_wait3A_18] : memref<1024x128x128xf32, #tpu.memory_space<hbm>> -> memref<2x128x128xf32, #tpu.memory_space<hbm>>
    %dma_wait3A_20 = arith.constant 0 : i32
    %dma_wait3A_21 = arith.constant 0 : i32
    %dma_wait3A_22 = arith.constant 0 : i32
    %dma_wait3A_23 = tpu.memref_slice %arg10[%dma_wait3A, %dma_wait3A_20, %dma_wait3A_21, %dma_wait3A_22] : memref<3x2x128x128xf32, #tpu.memory_space<vmem>> -> memref<1x2x128x128xf32, #tpu.memory_space<vmem>>
    %dma_wait3A_24 = tpu.memref_squeeze %dma_wait3A_23 : memref<1x2x128x128xf32, #tpu.memory_space<vmem>> -> memref<2x128x128xf32, #tpu.memory_space<vmem>>
    %dma_wait3A_25 = arith.constant 0 : i32
    %dma_wait3A_26 = arith.constant 0 : i32
    %dma_wait3A_27 = arith.constant 0 : i32
    %dma_wait3A_28 = tpu.memref_slice %arg2[%dma_wait3A_25, %dma_wait3A_26, %dma_wait3A_27] : memref<1024x128x128xf32, #tpu.memory_space<hbm>> -> memref<2x128x128xf32, #tpu.memory_space<hbm>>
    tpu.wait_dma2 semaphore(%arg12 : memref<!tpu.dma_semaphore, #tpu.memory_space<semaphore_mem>>) src(%dma_wait3A_28 : memref<2x128x128xf32, #tpu.memory_space<hbm>>) dst(%dma_wait3A_24 : memref<2x128x128xf32, #tpu.memory_space<vmem>>)
    %dma_start3A = arith.constant 15 : i32
    %dma_start3A_29 = arith.constant 0 : i32
    %dma_start3A_30 = arith.constant 0 : i32
    %dma_start3A_31 = arith.constant 0 : i32
    %dma_start3A_32 = arith.constant 0 : i32
    %dma_start3A_33 = tpu.memref_slice %arg10[%dma_start3A_29, %dma_start3A_30, %dma_start3A_31, %dma_start3A_32] : memref<3x2x128x128xf32, #tpu.memory_space<vmem>> -> memref<1x2x128x128xf32, #tpu.memory_space<vmem>>
    %dma_start3A_34 = tpu.memref_squeeze %dma_start3A_33 : memref<1x2x128x128xf32, #tpu.memory_space<vmem>> -> memref<2x128x128xf32, #tpu.memory_space<vmem>>
    %dma_start3A_35 = arith.constant 0 : i32
    %dma_start3A_36 = tpu.memref_slice %arg8[%dma_start3A, %dma_start3A_35] : memref<16x2xi32, #tpu.memory_space<vmem>> -> memref<1x2xi32, #tpu.memory_space<vmem>>
    %dma_start3A_37 = tpu.memref_squeeze %dma_start3A_36 : memref<1x2xi32, #tpu.memory_space<vmem>> -> memref<2xi32, #tpu.memory_space<vmem>>
    %dma_start3A_38 = arith.constant 0 : i32
    %dma_start3A_39 = arith.constant 0 : i32
    %dma_start3A_40 = arith.constant 0 : i32
    %dma_start3A_41 = tpu.memref_slice %arg2[%dma_start3A_38, %dma_start3A_39, %dma_start3A_40] : memref<1024x128x128xf32, #tpu.memory_space<hbm>> -> memref<1024x128x128xf32, #tpu.memory_space<hbm>>
    tpu.enqueue_indirect_dma source(%dma_start3A_41 : memref<1024x128x128xf32, #tpu.memory_space<hbm>>) target(%dma_start3A_34 : memref<2x128x128xf32, #tpu.memory_space<vmem>>) offsets(%dma_start3A_37 : memref<2xi32, #tpu.memory_space<vmem>>) semaphore(%arg11 : memref<!tpu.dma_semaphore, #tpu.memory_space<semaphore_mem>>)
    %dma_wait3A_42 = arith.constant 1 : i32
    %dma_wait3A_43 = arith.constant 0 : i32
    %dma_wait3A_44 = arith.constant 0 : i32
    %dma_wait3A_45 = arith.constant 0 : i32
    %dma_wait3A_46 = tpu.memref_slice %arg10[%dma_wait3A_42, %dma_wait3A_43, %dma_wait3A_44, %dma_wait3A_45] : memref<3x2x128x128xf32, #tpu.memory_space<vmem>> -> memref<1x2x128x128xf32, #tpu.memory_space<vmem>>
    %dma_wait3A_47 = tpu.memref_squeeze %dma_wait3A_46 : memref<1x2x128x128xf32, #tpu.memory_space<vmem>> -> memref<2x128x128xf32, #tpu.memory_space<vmem>>
    %dma_wait3A_48 = arith.constant 0 : i32
    %dma_wait3A_49 = arith.constant 0 : i32
    %dma_wait3A_50 = arith.constant 0 : i32
    %dma_wait3A_51 = tpu.memref_slice %arg2[%dma_wait3A_48, %dma_wait3A_49, %dma_wait3A_50] : memref<1024x128x128xf32, #tpu.memory_space<hbm>> -> memref<2x128x128xf32, #tpu.memory_space<hbm>>
    %dma_wait3A_52 = arith.constant 0 : i32
    %dma_wait3A_53 = arith.constant 0 : i32
    %dma_wait3A_54 = arith.constant 0 : i32
    %dma_wait3A_55 = tpu.memref_slice %arg10[%dma_wait3A_42, %dma_wait3A_52, %dma_wait3A_53, %dma_wait3A_54] : memref<3x2x128x128xf32, #tpu.memory_space<vmem>> -> memref<1x2x128x128xf32, #tpu.memory_space<vmem>>
    %dma_wait3A_56 = tpu.memref_squeeze %dma_wait3A_55 : memref<1x2x128x128xf32, #tpu.memory_space<vmem>> -> memref<2x128x128xf32, #tpu.memory_space<vmem>>
    %dma_wait3A_57 = arith.constant 0 : i32
    %dma_wait3A_58 = arith.constant 0 : i32
    %dma_wait3A_59 = arith.constant 0 : i32
    %dma_wait3A_60 = tpu.memref_slice %arg2[%dma_wait3A_57, %dma_wait3A_58, %dma_wait3A_59] : memref<1024x128x128xf32, #tpu.memory_space<hbm>> -> memref<2x128x128xf32, #tpu.memory_space<hbm>>
    tpu.wait_dma2 semaphore(%arg11 : memref<!tpu.dma_semaphore, #tpu.memory_space<semaphore_mem>>) src(%dma_wait3A_60 : memref<2x128x128xf32, #tpu.memory_space<hbm>>) dst(%dma_wait3A_56 : memref<2x128x128xf32, #tpu.memory_space<vmem>>)
    %add3A_61 = arith.constant 28 : i32
    %add3A_62 = arith.addi %mul3A_2, %add3A_61 : i32
    %dma_start3A_63 = arith.constant 1 : i32
    %dma_start3A_64 = arith.constant 0 : i32
    %dma_start3A_65 = arith.constant 0 : i32
    %dma_start3A_66 = arith.constant 0 : i32
    %dma_start3A_67 = tpu.memref_slice %arg10[%dma_start3A_63, %dma_start3A_64, %dma_start3A_65, %dma_start3A_66] : memref<3x2x128x128xf32, #tpu.memory_space<vmem>> -> memref<1x2x128x128xf32, #tpu.memory_space<vmem>>
    %dma_start3A_68 = tpu.memref_squeeze %dma_start3A_67 : memref<1x2x128x128xf32, #tpu.memory_space<vmem>> -> memref<2x128x128xf32, #tpu.memory_space<vmem>>
    %dma_start3A_69 = arith.constant 0 : i32
    %dma_start3A_70 = arith.constant 0 : i32
    %dma_start3A_71 = tpu.memref_slice %arg6[%add3A_62, %dma_start3A_69, %dma_start3A_70] : memref<1024x128x128xf32, #tpu.memory_space<hbm>> -> memref<2x128x128xf32, #tpu.memory_space<hbm>>
    %dma_start3A_72 = arith.constant 0 : i32
    %dma_start3A_73 = arith.constant 0 : i32
    %dma_start3A_74 = tpu.memref_slice %arg6[%add3A_62, %dma_start3A_72, %dma_start3A_73] : memref<1024x128x128xf32, #tpu.memory_space<hbm>> -> memref<2x128x128xf32, #tpu.memory_space<hbm>>
    %dma_start3A_75 = arith.constant 0 : i32
    %dma_start3A_76 = arith.constant 0 : i32
    %dma_start3A_77 = arith.constant 0 : i32
    %dma_start3A_78 = tpu.memref_slice %arg10[%dma_start3A_63, %dma_start3A_75, %dma_start3A_76, %dma_start3A_77] : memref<3x2x128x128xf32, #tpu.memory_space<vmem>> -> memref<1x2x128x128xf32, #tpu.memory_space<vmem>>
    %dma_start3A_79 = tpu.memref_squeeze %dma_start3A_78 : memref<1x2x128x128xf32, #tpu.memory_space<vmem>> -> memref<2x128x128xf32, #tpu.memory_space<vmem>>
    tpu.enqueue_dma source(%dma_start3A_79 : memref<2x128x128xf32, #tpu.memory_space<vmem>>) target(%dma_start3A_74 : memref<2x128x128xf32, #tpu.memory_space<hbm>>) target_semaphore(%arg12 : memref<!tpu.dma_semaphore, #tpu.memory_space<semaphore_mem>>)
    %dma_wait3A_80 = arith.constant 1 : i32
    %dma_wait3A_81 = arith.constant 0 : i32
    %dma_wait3A_82 = arith.constant 0 : i32
    %dma_wait3A_83 = arith.constant 0 : i32
    %dma_wait3A_84 = tpu.memref_slice %arg10[%dma_wait3A_80, %dma_wait3A_81, %dma_wait3A_82, %dma_wait3A_83] : memref<3x2x128x128xf32, #tpu.memory_space<vmem>> -> memref<1x2x128x128xf32, #tpu.memory_space<vmem>>
    %dma_wait3A_85 = tpu.memref_squeeze %dma_wait3A_84 : memref<1x2x128x128xf32, #tpu.memory_space<vmem>> -> memref<2x128x128xf32, #tpu.memory_space<vmem>>
    %dma_wait3A_86 = arith.constant 0 : i32
    %dma_wait3A_87 = arith.constant 0 : i32
    %dma_wait3A_88 = arith.constant 0 : i32
    %dma_wait3A_89 = tpu.memref_slice %arg2[%dma_wait3A_86, %dma_wait3A_87, %dma_wait3A_88] : memref<1024x128x128xf32, #tpu.memory_space<hbm>> -> memref<2x128x128xf32, #tpu.memory_space<hbm>>
    %dma_wait3A_90 = arith.constant 0 : i32
    %dma_wait3A_91 = arith.constant 0 : i32
    %dma_wait3A_92 = arith.constant 0 : i32
    %dma_wait3A_93 = tpu.memref_slice %arg10[%dma_wait3A_80, %dma_wait3A_90, %dma_wait3A_91, %dma_wait3A_92] : memref<3x2x128x128xf32, #tpu.memory_space<vmem>> -> memref<1x2x128x128xf32, #tpu.memory_space<vmem>>
    %dma_wait3A_94 = tpu.memref_squeeze %dma_wait3A_93 : memref<1x2x128x128xf32, #tpu.memory_space<vmem>> -> memref<2x128x128xf32, #tpu.memory_space<vmem>>
    %dma_wait3A_95 = arith.constant 0 : i32
    %dma_wait3A_96 = arith.constant 0 : i32
    %dma_wait3A_97 = arith.constant 0 : i32
    %dma_wait3A_98 = tpu.memref_slice %arg2[%dma_wait3A_95, %dma_wait3A_96, %dma_wait3A_97] : memref<1024x128x128xf32, #tpu.memory_space<hbm>> -> memref<2x128x128xf32, #tpu.memory_space<hbm>>
    tpu.wait_dma2 semaphore(%arg12 : memref<!tpu.dma_semaphore, #tpu.memory_space<semaphore_mem>>) src(%dma_wait3A_98 : memref<2x128x128xf32, #tpu.memory_space<hbm>>) dst(%dma_wait3A_94 : memref<2x128x128xf32, #tpu.memory_space<vmem>>)
    %dma_start3A_99 = arith.constant 15 : i32
    %dma_start3A_100 = arith.constant 1 : i32
    %dma_start3A_101 = arith.constant 0 : i32
    %dma_start3A_102 = arith.constant 0 : i32
    %dma_start3A_103 = arith.constant 0 : i32
    %dma_start3A_104 = tpu.memref_slice %arg10[%dma_start3A_100, %dma_start3A_101, %dma_start3A_102, %dma_start3A_103] : memref<3x2x128x128xf32, #tpu.memory_space<vmem>> -> memref<1x2x128x128xf32, #tpu.memory_space<vmem>>
    %dma_start3A_105 = tpu.memref_squeeze %dma_start3A_104 : memref<1x2x128x128xf32, #tpu.memory_space<vmem>> -> memref<2x128x128xf32, #tpu.memory_space<vmem>>
    %dma_start3A_106 = arith.constant 0 : i32
    %dma_start3A_107 = tpu.memref_slice %arg9[%dma_start3A_99, %dma_start3A_106] : memref<16x2xi32, #tpu.memory_space<vmem>> -> memref<1x2xi32, #tpu.memory_space<vmem>>
    %dma_start3A_108 = tpu.memref_squeeze %dma_start3A_107 : memref<1x2xi32, #tpu.memory_space<vmem>> -> memref<2xi32, #tpu.memory_space<vmem>>
    %dma_start3A_109 = arith.constant 0 : i32
    %dma_start3A_110 = arith.constant 0 : i32
    %dma_start3A_111 = arith.constant 0 : i32
    %dma_start3A_112 = tpu.memref_slice %arg3[%dma_start3A_109, %dma_start3A_110, %dma_start3A_111] : memref<1024x128x128xf32, #tpu.memory_space<hbm>> -> memref<1024x128x128xf32, #tpu.memory_space<hbm>>
    tpu.enqueue_indirect_dma source(%dma_start3A_112 : memref<1024x128x128xf32, #tpu.memory_space<hbm>>) target(%dma_start3A_105 : memref<2x128x128xf32, #tpu.memory_space<vmem>>) offsets(%dma_start3A_108 : memref<2xi32, #tpu.memory_space<vmem>>) semaphore(%arg11 : memref<!tpu.dma_semaphore, #tpu.memory_space<semaphore_mem>>)
    %dma_wait3A_113 = arith.constant 2 : i32
    %dma_wait3A_114 = arith.constant 0 : i32
    %dma_wait3A_115 = arith.constant 0 : i32
    %dma_wait3A_116 = arith.constant 0 : i32
    %dma_wait3A_117 = tpu.memref_slice %arg10[%dma_wait3A_113, %dma_wait3A_114, %dma_wait3A_115, %dma_wait3A_116] : memref<3x2x128x128xf32, #tpu.memory_space<vmem>> -> memref<1x2x128x128xf32, #tpu.memory_space<vmem>>
    %dma_wait3A_118 = tpu.memref_squeeze %dma_wait3A_117 : memref<1x2x128x128xf32, #tpu.memory_space<vmem>> -> memref<2x128x128xf32, #tpu.memory_space<vmem>>
    %dma_wait3A_119 = arith.constant 0 : i32
    %dma_wait3A_120 = arith.constant 0 : i32
    %dma_wait3A_121 = arith.constant 0 : i32
    %dma_wait3A_122 = tpu.memref_slice %arg2[%dma_wait3A_119, %dma_wait3A_120, %dma_wait3A_121] : memref<1024x128x128xf32, #tpu.memory_space<hbm>> -> memref<2x128x128xf32, #tpu.memory_space<hbm>>
    %dma_wait3A_123 = arith.constant 0 : i32
    %dma_wait3A_124 = arith.constant 0 : i32
    %dma_wait3A_125 = arith.constant 0 : i32
    %dma_wait3A_126 = tpu.memref_slice %arg10[%dma_wait3A_113, %dma_wait3A_123, %dma_wait3A_124, %dma_wait3A_125] : memref<3x2x128x128xf32, #tpu.memory_space<vmem>> -> memref<1x2x128x128xf32, #tpu.memory_space<vmem>>
    %dma_wait3A_127 = tpu.memref_squeeze %dma_wait3A_126 : memref<1x2x128x128xf32, #tpu.memory_space<vmem>> -> memref<2x128x128xf32, #tpu.memory_space<vmem>>
    %dma_wait3A_128 = arith.constant 0 : i32
    %dma_wait3A_129 = arith.constant 0 : i32
    %dma_wait3A_130 = arith.constant 0 : i32
    %dma_wait3A_131 = tpu.memref_slice %arg2[%dma_wait3A_128, %dma_wait3A_129, %dma_wait3A_130] : memref<1024x128x128xf32, #tpu.memory_space<hbm>> -> memref<2x128x128xf32, #tpu.memory_space<hbm>>
    tpu.wait_dma2 semaphore(%arg11 : memref<!tpu.dma_semaphore, #tpu.memory_space<semaphore_mem>>) src(%dma_wait3A_131 : memref<2x128x128xf32, #tpu.memory_space<hbm>>) dst(%dma_wait3A_127 : memref<2x128x128xf32, #tpu.memory_space<vmem>>)
    %add3A_132 = arith.constant 28 : i32
    %add3A_133 = arith.addi %mul3A_2, %add3A_132 : i32
    %dma_start3A_134 = arith.constant 2 : i32
    %dma_start3A_135 = arith.constant 0 : i32
    %dma_start3A_136 = arith.constant 0 : i32
    %dma_start3A_137 = arith.constant 0 : i32
    %dma_start3A_138 = tpu.memref_slice %arg10[%dma_start3A_134, %dma_start3A_135, %dma_start3A_136, %dma_start3A_137] : memref<3x2x128x128xf32, #tpu.memory_space<vmem>> -> memref<1x2x128x128xf32, #tpu.memory_space<vmem>>
    %dma_start3A_139 = tpu.memref_squeeze %dma_start3A_138 : memref<1x2x128x128xf32, #tpu.memory_space<vmem>> -> memref<2x128x128xf32, #tpu.memory_space<vmem>>
    %dma_start3A_140 = arith.constant 0 : i32
    %dma_start3A_141 = arith.constant 0 : i32
    %dma_start3A_142 = tpu.memref_slice %arg7[%add3A_133, %dma_start3A_140, %dma_start3A_141] : memref<1024x128x128xf32, #tpu.memory_space<hbm>> -> memref<2x128x128xf32, #tpu.memory_space<hbm>>
    %dma_start3A_143 = arith.constant 0 : i32
    %dma_start3A_144 = arith.constant 0 : i32
    %dma_start3A_145 = tpu.memref_slice %arg7[%add3A_133, %dma_start3A_143, %dma_start3A_144] : memref<1024x128x128xf32, #tpu.memory_space<hbm>> -> memref<2x128x128xf32, #tpu.memory_space<hbm>>
    %dma_start3A_146 = arith.constant 0 : i32
    %dma_start3A_147 = arith.constant 0 : i32
    %dma_start3A_148 = arith.constant 0 : i32
    %dma_start3A_149 = tpu.memref_slice %arg10[%dma_start3A_134, %dma_start3A_146, %dma_start3A_147, %dma_start3A_148] : memref<3x2x128x128xf32, #tpu.memory_space<vmem>> -> memref<1x2x128x128xf32, #tpu.memory_space<vmem>>
    %dma_start3A_150 = tpu.memref_squeeze %dma_start3A_149 : memref<1x2x128x128xf32, #tpu.memory_space<vmem>> -> memref<2x128x128xf32, #tpu.memory_space<vmem>>
    tpu.enqueue_dma source(%dma_start3A_150 : memref<2x128x128xf32, #tpu.memory_space<vmem>>) target(%dma_start3A_145 : memref<2x128x128xf32, #tpu.memory_space<hbm>>) target_semaphore(%arg12 : memref<!tpu.dma_semaphore, #tpu.memory_space<semaphore_mem>>)
    %dma_wait3A_151 = arith.constant 0 : i32
    %dma_wait3A_152 = arith.constant 0 : i32
    %dma_wait3A_153 = arith.constant 0 : i32
    %dma_wait3A_154 = arith.constant 0 : i32
    %dma_wait3A_155 = tpu.memref_slice %arg10[%dma_wait3A_151, %dma_wait3A_152, %dma_wait3A_153, %dma_wait3A_154] : memref<3x2x128x128xf32, #tpu.memory_space<vmem>> -> memref<1x2x128x128xf32, #tpu.memory_space<vmem>>
    %dma_wait3A_156 = tpu.memref_squeeze %dma_wait3A_155 : memref<1x2x128x128xf32, #tpu.memory_space<vmem>> -> memref<2x128x128xf32, #tpu.memory_space<vmem>>
    %dma_wait3A_157 = arith.constant 0 : i32
    %dma_wait3A_158 = arith.constant 0 : i32
    %dma_wait3A_159 = arith.constant 0 : i32
    %dma_wait3A_160 = tpu.memref_slice %arg2[%dma_wait3A_157, %dma_wait3A_158, %dma_wait3A_159] : memref<1024x128x128xf32, #tpu.memory_space<hbm>> -> memref<2x128x128xf32, #tpu.memory_space<hbm>>
    %dma_wait3A_161 = arith.constant 0 : i32
    %dma_wait3A_162 = arith.constant 0 : i32
    %dma_wait3A_163 = arith.constant 0 : i32
    %dma_wait3A_164 = tpu.memref_slice %arg10[%dma_wait3A_151, %dma_wait3A_161, %dma_wait3A_162, %dma_wait3A_163] : memref<3x2x128x128xf32, #tpu.memory_space<vmem>> -> memref<1x2x128x128xf32, #tpu.memory_space<vmem>>
    %dma_wait3A_165 = tpu.memref_squeeze %dma_wait3A_164 : memref<1x2x128x128xf32, #tpu.memory_space<vmem>> -> memref<2x128x128xf32, #tpu.memory_space<vmem>>
    %dma_wait3A_166 = arith.constant 0 : i32
    %dma_wait3A_167 = arith.constant 0 : i32
    %dma_wait3A_168 = arith.constant 0 : i32
    %dma_wait3A_169 = tpu.memref_slice %arg2[%dma_wait3A_166, %dma_wait3A_167, %dma_wait3A_168] : memref<1024x128x128xf32, #tpu.memory_space<hbm>> -> memref<2x128x128xf32, #tpu.memory_space<hbm>>
    tpu.wait_dma2 semaphore(%arg11 : memref<!tpu.dma_semaphore, #tpu.memory_space<semaphore_mem>>) src(%dma_wait3A_169 : memref<2x128x128xf32, #tpu.memory_space<hbm>>) dst(%dma_wait3A_165 : memref<2x128x128xf32, #tpu.memory_space<vmem>>)
    %add3A_170 = arith.constant 30 : i32
    %add3A_171 = arith.addi %mul3A_2, %add3A_170 : i32
    %dma_start3A_172 = arith.constant 0 : i32
    %dma_start3A_173 = arith.constant 0 : i32
    %dma_start3A_174 = arith.constant 0 : i32
    %dma_start3A_175 = arith.constant 0 : i32
    %dma_start3A_176 = tpu.memref_slice %arg10[%dma_start3A_172, %dma_start3A_173, %dma_start3A_174, %dma_start3A_175] : memref<3x2x128x128xf32, #tpu.memory_space<vmem>> -> memref<1x2x128x128xf32, #tpu.memory_space<vmem>>
    %dma_start3A_177 = tpu.memref_squeeze %dma_start3A_176 : memref<1x2x128x128xf32, #tpu.memory_space<vmem>> -> memref<2x128x128xf32, #tpu.memory_space<vmem>>
    %dma_start3A_178 = arith.constant 0 : i32
    %dma_start3A_179 = arith.constant 0 : i32
    %dma_start3A_180 = tpu.memref_slice %arg6[%add3A_171, %dma_start3A_178, %dma_start3A_179] : memref<1024x128x128xf32, #tpu.memory_space<hbm>> -> memref<2x128x128xf32, #tpu.memory_space<hbm>>
    %dma_start3A_181 = arith.constant 0 : i32
    %dma_start3A_182 = arith.constant 0 : i32
    %dma_start3A_183 = tpu.memref_slice %arg6[%add3A_171, %dma_start3A_181, %dma_start3A_182] : memref<1024x128x128xf32, #tpu.memory_space<hbm>> -> memref<2x128x128xf32, #tpu.memory_space<hbm>>
    %dma_start3A_184 = arith.constant 0 : i32
    %dma_start3A_185 = arith.constant 0 : i32
    %dma_start3A_186 = arith.constant 0 : i32
    %dma_start3A_187 = tpu.memref_slice %arg10[%dma_start3A_172, %dma_start3A_184, %dma_start3A_185, %dma_start3A_186] : memref<3x2x128x128xf32, #tpu.memory_space<vmem>> -> memref<1x2x128x128xf32, #tpu.memory_space<vmem>>
    %dma_start3A_188 = tpu.memref_squeeze %dma_start3A_187 : memref<1x2x128x128xf32, #tpu.memory_space<vmem>> -> memref<2x128x128xf32, #tpu.memory_space<vmem>>
    tpu.enqueue_dma source(%dma_start3A_188 : memref<2x128x128xf32, #tpu.memory_space<vmem>>) target(%dma_start3A_183 : memref<2x128x128xf32, #tpu.memory_space<hbm>>) target_semaphore(%arg12 : memref<!tpu.dma_semaphore, #tpu.memory_space<semaphore_mem>>)
    %dma_wait3A_189 = arith.constant 1 : i32
    %dma_wait3A_190 = arith.constant 0 : i32
    %dma_wait3A_191 = arith.constant 0 : i32
    %dma_wait3A_192 = arith.constant 0 : i32
    %dma_wait3A_193 = tpu.memref_slice %arg10[%dma_wait3A_189, %dma_wait3A_190, %dma_wait3A_191, %dma_wait3A_192] : memref<3x2x128x128xf32, #tpu.memory_space<vmem>> -> memref<1x2x128x128xf32, #tpu.memory_space<vmem>>
    %dma_wait3A_194 = tpu.memref_squeeze %dma_wait3A_193 : memref<1x2x128x128xf32, #tpu.memory_space<vmem>> -> memref<2x128x128xf32, #tpu.memory_space<vmem>>
    %dma_wait3A_195 = arith.constant 0 : i32
    %dma_wait3A_196 = arith.constant 0 : i32
    %dma_wait3A_197 = arith.constant 0 : i32
    %dma_wait3A_198 = tpu.memref_slice %arg2[%dma_wait3A_195, %dma_wait3A_196, %dma_wait3A_197] : memref<1024x128x128xf32, #tpu.memory_space<hbm>> -> memref<2x128x128xf32, #tpu.memory_space<hbm>>
    %dma_wait3A_199 = arith.constant 0 : i32
    %dma_wait3A_200 = arith.constant 0 : i32
    %dma_wait3A_201 = arith.constant 0 : i32
    %dma_wait3A_202 = tpu.memref_slice %arg10[%dma_wait3A_189, %dma_wait3A_199, %dma_wait3A_200, %dma_wait3A_201] : memref<3x2x128x128xf32, #tpu.memory_space<vmem>> -> memref<1x2x128x128xf32, #tpu.memory_space<vmem>>
    %dma_wait3A_203 = tpu.memref_squeeze %dma_wait3A_202 : memref<1x2x128x128xf32, #tpu.memory_space<vmem>> -> memref<2x128x128xf32, #tpu.memory_space<vmem>>
    %dma_wait3A_204 = arith.constant 0 : i32
    %dma_wait3A_205 = arith.constant 0 : i32
    %dma_wait3A_206 = arith.constant 0 : i32
    %dma_wait3A_207 = tpu.memref_slice %arg2[%dma_wait3A_204, %dma_wait3A_205, %dma_wait3A_206] : memref<1024x128x128xf32, #tpu.memory_space<hbm>> -> memref<2x128x128xf32, #tpu.memory_space<hbm>>
    tpu.wait_dma2 semaphore(%arg11 : memref<!tpu.dma_semaphore, #tpu.memory_space<semaphore_mem>>) src(%dma_wait3A_207 : memref<2x128x128xf32, #tpu.memory_space<hbm>>) dst(%dma_wait3A_203 : memref<2x128x128xf32, #tpu.memory_space<vmem>>)
    %add3A_208 = arith.constant 30 : i32
    %add3A_209 = arith.addi %mul3A_2, %add3A_208 : i32
    %dma_start3A_210 = arith.constant 1 : i32
    %dma_start3A_211 = arith.constant 0 : i32
    %dma_start3A_212 = arith.constant 0 : i32
    %dma_start3A_213 = arith.constant 0 : i32
    %dma_start3A_214 = tpu.memref_slice %arg10[%dma_start3A_210, %dma_start3A_211, %dma_start3A_212, %dma_start3A_213] : memref<3x2x128x128xf32, #tpu.memory_space<vmem>> -> memref<1x2x128x128xf32, #tpu.memory_space<vmem>>
    %dma_start3A_215 = tpu.memref_squeeze %dma_start3A_214 : memref<1x2x128x128xf32, #tpu.memory_space<vmem>> -> memref<2x128x128xf32, #tpu.memory_space<vmem>>
    %dma_start3A_216 = arith.constant 0 : i32
    %dma_start3A_217 = arith.constant 0 : i32
    %dma_start3A_218 = tpu.memref_slice %arg7[%add3A_209, %dma_start3A_216, %dma_start3A_217] : memref<1024x128x128xf32, #tpu.memory_space<hbm>> -> memref<2x128x128xf32, #tpu.memory_space<hbm>>
    %dma_start3A_219 = arith.constant 0 : i32
    %dma_start3A_220 = arith.constant 0 : i32
    %dma_start3A_221 = tpu.memref_slice %arg7[%add3A_209, %dma_start3A_219, %dma_start3A_220] : memref<1024x128x128xf32, #tpu.memory_space<hbm>> -> memref<2x128x128xf32, #tpu.memory_space<hbm>>
    %dma_start3A_222 = arith.constant 0 : i32
    %dma_start3A_223 = arith.constant 0 : i32
    %dma_start3A_224 = arith.constant 0 : i32
    %dma_start3A_225 = tpu.memref_slice %arg10[%dma_start3A_210, %dma_start3A_222, %dma_start3A_223, %dma_start3A_224] : memref<3x2x128x128xf32, #tpu.memory_space<vmem>> -> memref<1x2x128x128xf32, #tpu.memory_space<vmem>>
    %dma_start3A_226 = tpu.memref_squeeze %dma_start3A_225 : memref<1x2x128x128xf32, #tpu.memory_space<vmem>> -> memref<2x128x128xf32, #tpu.memory_space<vmem>>
    tpu.enqueue_dma source(%dma_start3A_226 : memref<2x128x128xf32, #tpu.memory_space<vmem>>) target(%dma_start3A_221 : memref<2x128x128xf32, #tpu.memory_space<hbm>>) target_semaphore(%arg12 : memref<!tpu.dma_semaphore, #tpu.memory_space<semaphore_mem>>)
    %dma_wait3A_227 = arith.constant 2 : i32
    %dma_wait3A_228 = arith.constant 0 : i32
    %dma_wait3A_229 = arith.constant 0 : i32
    %dma_wait3A_230 = arith.constant 0 : i32
    %dma_wait3A_231 = tpu.memref_slice %arg10[%dma_wait3A_227, %dma_wait3A_228, %dma_wait3A_229, %dma_wait3A_230] : memref<3x2x128x128xf32, #tpu.memory_space<vmem>> -> memref<1x2x128x128xf32, #tpu.memory_space<vmem>>
    %dma_wait3A_232 = tpu.memref_squeeze %dma_wait3A_231 : memref<1x2x128x128xf32, #tpu.memory_space<vmem>> -> memref<2x128x128xf32, #tpu.memory_space<vmem>>
    %dma_wait3A_233 = arith.constant 0 : i32
    %dma_wait3A_234 = arith.constant 0 : i32
    %dma_wait3A_235 = arith.constant 0 : i32
    %dma_wait3A_236 = tpu.memref_slice %arg2[%dma_wait3A_233, %dma_wait3A_234, %dma_wait3A_235] : memref<1024x128x128xf32, #tpu.memory_space<hbm>> -> memref<2x128x128xf32, #tpu.memory_space<hbm>>
    %dma_wait3A_237 = arith.constant 0 : i32
    %dma_wait3A_238 = arith.constant 0 : i32
    %dma_wait3A_239 = arith.constant 0 : i32
    %dma_wait3A_240 = tpu.memref_slice %arg10[%dma_wait3A_227, %dma_wait3A_237, %dma_wait3A_238, %dma_wait3A_239] : memref<3x2x128x128xf32, #tpu.memory_space<vmem>> -> memref<1x2x128x128xf32, #tpu.memory_space<vmem>>
    %dma_wait3A_241 = tpu.memref_squeeze %dma_wait3A_240 : memref<1x2x128x128xf32, #tpu.memory_space<vmem>> -> memref<2x128x128xf32, #tpu.memory_space<vmem>>
    %dma_wait3A_242 = arith.constant 0 : i32
    %dma_wait3A_243 = arith.constant 0 : i32
    %dma_wait3A_244 = arith.constant 0 : i32
    %dma_wait3A_245 = tpu.memref_slice %arg2[%dma_wait3A_242, %dma_wait3A_243, %dma_wait3A_244] : memref<1024x128x128xf32, #tpu.memory_space<hbm>> -> memref<2x128x128xf32, #tpu.memory_space<hbm>>
    tpu.wait_dma2 semaphore(%arg12 : memref<!tpu.dma_semaphore, #tpu.memory_space<semaphore_mem>>) src(%dma_wait3A_245 : memref<2x128x128xf32, #tpu.memory_space<hbm>>) dst(%dma_wait3A_241 : memref<2x128x128xf32, #tpu.memory_space<vmem>>)
    %dma_wait3A_246 = arith.constant 0 : i32
    %dma_wait3A_247 = arith.constant 0 : i32
    %dma_wait3A_248 = arith.constant 0 : i32
    %dma_wait3A_249 = arith.constant 0 : i32
    %dma_wait3A_250 = tpu.memref_slice %arg10[%dma_wait3A_246, %dma_wait3A_247, %dma_wait3A_248, %dma_wait3A_249] : memref<3x2x128x128xf32, #tpu.memory_space<vmem>> -> memref<1x2x128x128xf32, #tpu.memory_space<vmem>>
    %dma_wait3A_251 = tpu.memref_squeeze %dma_wait3A_250 : memref<1x2x128x128xf32, #tpu.memory_space<vmem>> -> memref<2x128x128xf32, #tpu.memory_space<vmem>>
    %dma_wait3A_252 = arith.constant 0 : i32
    %dma_wait3A_253 = arith.constant 0 : i32
    %dma_wait3A_254 = arith.constant 0 : i32
    %dma_wait3A_255 = tpu.memref_slice %arg2[%dma_wait3A_252, %dma_wait3A_253, %dma_wait3A_254] : memref<1024x128x128xf32, #tpu.memory_space<hbm>> -> memref<2x128x128xf32, #tpu.memory_space<hbm>>
    %dma_wait3A_256 = arith.constant 0 : i32
    %dma_wait3A_257 = arith.constant 0 : i32
    %dma_wait3A_258 = arith.constant 0 : i32
    %dma_wait3A_259 = tpu.memref_slice %arg10[%dma_wait3A_246, %dma_wait3A_256, %dma_wait3A_257, %dma_wait3A_258] : memref<3x2x128x128xf32, #tpu.memory_space<vmem>> -> memref<1x2x128x128xf32, #tpu.memory_space<vmem>>
    %dma_wait3A_260 = tpu.memref_squeeze %dma_wait3A_259 : memref<1x2x128x128xf32, #tpu.memory_space<vmem>> -> memref<2x128x128xf32, #tpu.memory_space<vmem>>
    %dma_wait3A_261 = arith.constant 0 : i32
    %dma_wait3A_262 = arith.constant 0 : i32
    %dma_wait3A_263 = arith.constant 0 : i32
    %dma_wait3A_264 = tpu.memref_slice %arg2[%dma_wait3A_261, %dma_wait3A_262, %dma_wait3A_263] : memref<1024x128x128xf32, #tpu.memory_space<hbm>> -> memref<2x128x128xf32, #tpu.memory_space<hbm>>
    tpu.wait_dma2 semaphore(%arg12 : memref<!tpu.dma_semaphore, #tpu.memory_space<semaphore_mem>>) src(%dma_wait3A_264 : memref<2x128x128xf32, #tpu.memory_space<hbm>>) dst(%dma_wait3A_260 : memref<2x128x128xf32, #tpu.memory_space<vmem>>)
    %dma_wait3A_265 = arith.constant 1 : i32
    %dma_wait3A_266 = arith.constant 0 : i32
    %dma_wait3A_267 = arith.constant 0 : i32
    %dma_wait3A_268 = arith.constant 0 : i32
    %dma_wait3A_269 = tpu.memref_slice %arg10[%dma_wait3A_265, %dma_wait3A_266, %dma_wait3A_267, %dma_wait3A_268] : memref<3x2x128x128xf32, #tpu.memory_space<vmem>> -> memref<1x2x128x128xf32, #tpu.memory_space<vmem>>
    %dma_wait3A_270 = tpu.memref_squeeze %dma_wait3A_269 : memref<1x2x128x128xf32, #tpu.memory_space<vmem>> -> memref<2x128x128xf32, #tpu.memory_space<vmem>>
    %dma_wait3A_271 = arith.constant 0 : i32
    %dma_wait3A_272 = arith.constant 0 : i32
    %dma_wait3A_273 = arith.constant 0 : i32
    %dma_wait3A_274 = tpu.memref_slice %arg2[%dma_wait3A_271, %dma_wait3A_272, %dma_wait3A_273] : memref<1024x128x128xf32, #tpu.memory_space<hbm>> -> memref<2x128x128xf32, #tpu.memory_space<hbm>>
    %dma_wait3A_275 = arith.constant 0 : i32
    %dma_wait3A_276 = arith.constant 0 : i32
    %dma_wait3A_277 = arith.constant 0 : i32
    %dma_wait3A_278 = tpu.memref_slice %arg10[%dma_wait3A_265, %dma_wait3A_275, %dma_wait3A_276, %dma_wait3A_277] : memref<3x2x128x128xf32, #tpu.memory_space<vmem>> -> memref<1x2x128x128xf32, #tpu.memory_space<vmem>>
    %dma_wait3A_279 = tpu.memref_squeeze %dma_wait3A_278 : memref<1x2x128x128xf32, #tpu.memory_space<vmem>> -> memref<2x128x128xf32, #tpu.memory_space<vmem>>
    %dma_wait3A_280 = arith.constant 0 : i32
    %dma_wait3A_281 = arith.constant 0 : i32
    %dma_wait3A_282 = arith.constant 0 : i32
    %dma_wait3A_283 = tpu.memref_slice %arg2[%dma_wait3A_280, %dma_wait3A_281, %dma_wait3A_282] : memref<1024x128x128xf32, #tpu.memory_space<hbm>> -> memref<2x128x128xf32, #tpu.memory_space<hbm>>
    tpu.wait_dma2 semaphore(%arg12 : memref<!tpu.dma_semaphore, #tpu.memory_space<semaphore_mem>>) src(%dma_wait3A_283 : memref<2x128x128xf32, #tpu.memory_space<hbm>>) dst(%dma_wait3A_279 : memref<2x128x128xf32, #tpu.memory_space<vmem>>)
    return
  }
}

module attributes {stable_mosaic.version = 14 : i64} {
  func.func @_stage1_body(%arg0: i32, %arg1: memref<64x128x128xf32, #tpu.memory_space<vmem>>, %arg2: memref<64x128x128xf32, #tpu.memory_space<vmem>>, %arg3: memref<64x128x128xf32, #tpu.memory_space<vmem>>, %arg4: memref<1x1x64xi32, #tpu.memory_space<vmem>>, %arg5: memref<1x1x64xi32, #tpu.memory_space<vmem>>, %arg6: memref<1x1xf32, #tpu.memory_space<smem>>, %arg7: memref<64x128xf32, #tpu.memory_space<vmem>>, %arg8: memref<64x128xf32, #tpu.memory_space<vmem>>) attributes {dimension_semantics = [#tpu.dimension_semantics<arbitrary>], iteration_bounds = array<i64: 16>, scalar_prefetch = 0 : i64, scratch_operands = 2 : i64, tpu.core_type = #tpu.core_type<tc>, window_params = [{transform_indices = @transform_0, window_bounds = array<i64: 64, 128, 128>}, {transform_indices = @transform_1, window_bounds = array<i64: 64, 128, 128>}, {transform_indices = @transform_2, window_bounds = array<i64: 64, 128, 128>}, {transform_indices = @transform_3, window_bounds = array<i64: 1, 1, 64>}, {transform_indices = @transform_4, window_bounds = array<i64: 1, 1, 64>}, {transform_indices = @transform_5, window_bounds = array<i64: 1, 1>}]} {
    %get3A = arith.constant 0 : index
    %get3A_0 = arith.constant 0 : index
    %get3A_1 = arith.constant 0 : index
    %get3A_2 = vector.load %arg1[%get3A, %get3A_0, %get3A_1] : memref<64x128x128xf32, #tpu.memory_space<vmem>>, vector<64x128x128xf32>
    %get3A_3 = arith.constant 0 : index
    %get3A_4 = arith.constant 0 : index
    %get3A_5 = arith.constant 0 : index
    %get3A_6 = vector.load %arg2[%get3A_3, %get3A_4, %get3A_5] : memref<64x128x128xf32, #tpu.memory_space<vmem>>, vector<64x128x128xf32>
    %sub3A = arith.subf %get3A_2, %get3A_6 : vector<64x128x128xf32>
    %add3A = arith.constant 9.99999997E-7 : f32
    %add3A_7 = vector.broadcast %add3A : f32 to vector<64x128x128xf32>
    %add3A_8 = arith.addf %sub3A, %add3A_7 : vector<64x128x128xf32>
    %get3A_9 = arith.constant 0 : index
    %get3A_10 = arith.constant 0 : index
    %get3A_11 = arith.constant 0 : index
    %get3A_12 = vector.load %arg3[%get3A_9, %get3A_10, %get3A_11] : memref<64x128x128xf32, #tpu.memory_space<vmem>>, vector<64x128x128xf32>
    %sub3A_13 = arith.subf %get3A_2, %get3A_12 : vector<64x128x128xf32>
    %add3A_14 = arith.constant 9.99999997E-7 : f32
    %add3A_15 = vector.broadcast %add3A_14 : f32 to vector<64x128x128xf32>
    %add3A_16 = arith.addf %sub3A_13, %add3A_15 : vector<64x128x128xf32>
    %mul3A = arith.mulf %add3A_8, %add3A_8 : vector<64x128x128xf32>
    %reduce_sum3A = arith.constant dense<0.000000e+00> : vector<64x128xf32>
    %reduce_sum3A_17 = vector.multi_reduction <add>, %mul3A, %reduce_sum3A [2] : vector<64x128x128xf32> to vector<64x128xf32>
    %swap3A = arith.constant 0 : index
    %swap3A_18 = arith.constant 0 : index
    %swap3A_19 = vector.load %arg7[%swap3A, %swap3A_18] : memref<64x128xf32, #tpu.memory_space<vmem>>, vector<64x128xf32>
    tpu.vector_store %arg7[%swap3A, %swap3A_18], %reduce_sum3A_17 {strides = array<i32>} : memref<64x128xf32, #tpu.memory_space<vmem>>, vector<64x128xf32>,
    %mul3A_20 = arith.mulf %add3A_16, %add3A_16 : vector<64x128x128xf32>
    %reduce_sum3A_21 = arith.constant dense<0.000000e+00> : vector<64x128xf32>
    %reduce_sum3A_22 = vector.multi_reduction <add>, %mul3A_20, %reduce_sum3A_21 [2] : vector<64x128x128xf32> to vector<64x128xf32>
    %swap3A_23 = arith.constant 0 : index
    %swap3A_24 = arith.constant 0 : index
    %swap3A_25 = vector.load %arg8[%swap3A_23, %swap3A_24] : memref<64x128xf32, #tpu.memory_space<vmem>>, vector<64x128xf32>
    tpu.vector_store %arg8[%swap3A_23, %swap3A_24], %reduce_sum3A_22 {strides = array<i32>} : memref<64x128xf32, #tpu.memory_space<vmem>>, vector<64x128xf32>,
    %get3A_26 = arith.constant 0 : index
    %get3A_27 = arith.constant 0 : index
    %get3A_28 = vector.load %arg7[%get3A_26, %get3A_27] : memref<64x128xf32, #tpu.memory_space<vmem>>, vector<64x128xf32>
    %sqrt3A = math.sqrt %get3A_28 : vector<64x128xf32>
    %get3A_29 = arith.constant 0 : index
    %get3A_30 = arith.constant 0 : index
    %get3A_31 = vector.load %arg8[%get3A_29, %get3A_30] : memref<64x128xf32, #tpu.memory_space<vmem>>, vector<64x128xf32>
    %sqrt3A_32 = math.sqrt %get3A_31 : vector<64x128xf32>
    %iota3A = tpu.iota {dimensions = array<i32: 1>} : vector<64x128xi32>
    %sub3A_33 = arith.subf %sqrt3A, %sqrt3A_32 : vector<64x128xf32>
    %add3A_34 = arith.constant 5.000000e-01 : f32
    %add3A_35 = vector.broadcast %add3A_34 : f32 to vector<64x128xf32>
    %add3A_36 = arith.addf %sub3A_33, %add3A_35 : vector<64x128xf32>
    %gt3A = arith.constant 0.000000e+00 : f32
    %gt3A_37 = vector.broadcast %gt3A : f32 to vector<64x128xf32>
    %gt3A_38 = arith.cmpf ogt, %add3A_36, %gt3A_37 : vector<64x128xf32>
    %jit3A = arith.constant 0xFF800000 : f32
    %broadcast_in_dim3A = vector.broadcast %jit3A : f32 to vector<64x128xf32>
    %select_n3A = arith.select %gt3A_38, %sqrt3A_32, %broadcast_in_dim3A : vector<64x128xi1>, vector<64x128xf32>
    %reduce_max3A = arith.constant dense<0xFF800000> : vector<64xf32>
    %reduce_max3A_39 = vector.multi_reduction <maximumf>, %select_n3A, %reduce_max3A [1] : vector<64x128xf32> to vector<64xf32>
    %broadcast_in_dim3A_40 = vector.shape_cast %reduce_max3A_39 : vector<64xf32> to vector<64x1xf32>
    %eq3A = vector.broadcast %broadcast_in_dim3A_40 : vector<64x1xf32> to vector<64x128xf32>
    %eq3A_41 = arith.cmpf oeq, %select_n3A, %eq3A : vector<64x128xf32>
    %jit3A_42 = arith.constant 128 : i32
    %broadcast_in_dim3A_43 = vector.broadcast %jit3A_42 : i32 to vector<64x128xi32>
    %select_n3A_44 = arith.select %eq3A_41, %iota3A, %broadcast_in_dim3A_43 : vector<64x128xi1>, vector<64x128xi32>
    %reduce_min3A = arith.constant dense<2147483647> : vector<64xi32>
    %reduce_min3A_45 = vector.multi_reduction <minsi>, %select_n3A_44, %reduce_min3A [1] : vector<64x128xi32> to vector<64xi32>
    %sub3A_46 = arith.subf %sqrt3A_32, %sqrt3A : vector<64x128xf32>
    %add3A_47 = arith.constant 5.000000e-01 : f32
    %add3A_48 = vector.broadcast %add3A_47 : f32 to vector<64x128xf32>
    %add3A_49 = arith.addf %sub3A_46, %add3A_48 : vector<64x128xf32>
    %gt3A_50 = arith.constant 0.000000e+00 : f32
    %gt3A_51 = vector.broadcast %gt3A_50 : f32 to vector<64x128xf32>
    %gt3A_52 = arith.cmpf ogt, %add3A_49, %gt3A_51 : vector<64x128xf32>
    %jit3A_53 = arith.constant 0x7F800000 : f32
    %broadcast_in_dim3A_54 = vector.broadcast %jit3A_53 : f32 to vector<64x128xf32>
    %select_n3A_55 = arith.select %gt3A_52, %sqrt3A, %broadcast_in_dim3A_54 : vector<64x128xi1>, vector<64x128xf32>
    %reduce_min3A_56 = arith.constant dense<0x7F800000> : vector<64xf32>
    %reduce_min3A_57 = vector.multi_reduction <minimumf>, %select_n3A_55, %reduce_min3A_56 [1] : vector<64x128xf32> to vector<64xf32>
    %broadcast_in_dim3A_58 = vector.shape_cast %reduce_min3A_57 : vector<64xf32> to vector<64x1xf32>
    %eq3A_59 = vector.broadcast %broadcast_in_dim3A_58 : vector<64x1xf32> to vector<64x128xf32>
    %eq3A_60 = arith.cmpf oeq, %select_n3A_55, %eq3A_59 : vector<64x128xf32>
    %jit3A_61 = arith.constant 128 : i32
    %broadcast_in_dim3A_62 = vector.broadcast %jit3A_61 : i32 to vector<64x128xi32>
    %select_n3A_63 = arith.select %eq3A_60, %iota3A, %broadcast_in_dim3A_62 : vector<64x128xi1>, vector<64x128xi32>
    %reduce_min3A_64 = arith.constant dense<2147483647> : vector<64xi32>
    %reduce_min3A_65 = vector.multi_reduction <minsi>, %select_n3A_63, %reduce_min3A_64 [1] : vector<64x128xi32> to vector<64xi32>
    %swap3A_66 = arith.constant 0 : index
    %swap3A_67 = arith.constant 0 : index
    %swap3A_68 = arith.constant 0 : index
    %swap3A_69 = vector.load %arg4[%swap3A_66, %swap3A_67, %swap3A_68] : memref<1x1x64xi32, #tpu.memory_space<vmem>>, vector<1x1x64xi32>
    %swap3A_70 = vector.shape_cast %swap3A_69 : vector<1x1x64xi32> to vector<64xi32>
    %swap3A_71 = vector.shape_cast %reduce_min3A_45 : vector<64xi32> to vector<1x1x64xi32>
    tpu.vector_store %arg4[%swap3A_66, %swap3A_67, %swap3A_68], %swap3A_71 {strides = array<i32>} : memref<1x1x64xi32, #tpu.memory_space<vmem>>, vector<1x1x64xi32>,
    %swap3A_72 = arith.constant 0 : index
    %swap3A_73 = arith.constant 0 : index
    %swap3A_74 = arith.constant 0 : index
    %swap3A_75 = vector.load %arg5[%swap3A_72, %swap3A_73, %swap3A_74] : memref<1x1x64xi32, #tpu.memory_space<vmem>>, vector<1x1x64xi32>
    %swap3A_76 = vector.shape_cast %swap3A_75 : vector<1x1x64xi32> to vector<64xi32>
    %swap3A_77 = vector.shape_cast %reduce_min3A_65 : vector<64xi32> to vector<1x1x64xi32>
    tpu.vector_store %arg5[%swap3A_72, %swap3A_73, %swap3A_74], %swap3A_77 {strides = array<i32>} : memref<1x1x64xi32, #tpu.memory_space<vmem>>, vector<1x1x64xi32>,
    %add3A_78 = arith.constant 5.000000e-01 : f32
    %add3A_79 = vector.broadcast %add3A_78 : f32 to vector<64x128xf32>
    %add3A_80 = arith.addf %add3A_79, %sqrt3A : vector<64x128xf32>
    %sub3A_81 = arith.subf %add3A_80, %sqrt3A_32 : vector<64x128xf32>
    %max3A = arith.constant 0.000000e+00 : f32
    %max3A_82 = vector.broadcast %max3A : f32 to vector<64x128xf32>
    %max3A_83 = arith.maximumf %sub3A_81, %max3A_82 : vector<64x128xf32>
    %reduce_sum3A_84 = vector.shape_cast %max3A_83 : vector<64x128xf32> to vector<1x64x128xf32>
    %reduce_sum3A_85 = arith.constant dense<0.000000e+00> : vector<1xf32>
    %reduce_sum3A_86 = vector.multi_reduction <add>, %reduce_sum3A_84, %reduce_sum3A_85 [1, 2] : vector<1x64x128xf32> to vector<1xf32>
    %reduce_sum3A_87 = vector.shape_cast %reduce_sum3A_86 : vector<1xf32> to vector<1x1x1xf32>
    %reduce_sum3A_88 = vector.extract %reduce_sum3A_87[0, 0, 0] : f32 from vector<1x1x1xf32>
    %eq3A_89 = arith.constant 0 : i32
    %eq3A_90 = arith.cmpi eq, %arg0, %eq3A_89 : i32
    %convert_element_type3A = arith.extui %eq3A_90 : i1 to i32
    %cond3A = arith.constant 0 : i32
    %cond3A_91 = arith.cmpi ne, %convert_element_type3A, %cond3A : i32
    scf.if %cond3A_91 {
      %swap3A_99 = arith.constant 0.000000e+00 : f32
      %swap3A_100 = arith.constant 0 : index
      %swap3A_101 = arith.constant 0 : index
      %swap3A_102 = memref.load %arg6[%swap3A_100, %swap3A_101] : memref<1x1xf32, #tpu.memory_space<smem>>
      memref.store %swap3A_99, %arg6[%swap3A_100, %swap3A_101] : memref<1x1xf32, #tpu.memory_space<smem>>
    } else {
    }
    %get3A_92 = arith.constant 0 : index
    %get3A_93 = arith.constant 0 : index
    %get3A_94 = memref.load %arg6[%get3A_92, %get3A_93] : memref<1x1xf32, #tpu.memory_space<smem>>
    %add3A_95 = arith.addf %get3A_94, %reduce_sum3A_88 : f32
    %swap3A_96 = arith.constant 0 : index
    %swap3A_97 = arith.constant 0 : index
    %swap3A_98 = memref.load %arg6[%swap3A_96, %swap3A_97] : memref<1x1xf32, #tpu.memory_space<smem>>
    memref.store %add3A_95, %arg6[%swap3A_96, %swap3A_97] : memref<1x1xf32, #tpu.memory_space<smem>>
    return
  }
  func.func @transform_0(%arg0: i32) -> (i32, i32, i32) {
    %c0_i32 = arith.constant 0 : i32
    %c0_i32_0 = arith.constant 0 : i32
    %c0_i32_1 = arith.constant 0 : i32
    return %arg0, %c0_i32, %c0_i32_0 : i32, i32, i32
  }
  func.func @transform_1(%arg0: i32) -> (i32, i32, i32) {
    %c0_i32 = arith.constant 0 : i32
    %c0_i32_0 = arith.constant 0 : i32
    %c0_i32_1 = arith.constant 0 : i32
    return %arg0, %c0_i32, %c0_i32_0 : i32, i32, i32
  }
  func.func @transform_2(%arg0: i32) -> (i32, i32, i32) {
    %c0_i32 = arith.constant 0 : i32
    %c0_i32_0 = arith.constant 0 : i32
    %c0_i32_1 = arith.constant 0 : i32
    return %arg0, %c0_i32, %c0_i32_0 : i32, i32, i32
  }
  func.func @transform_3(%arg0: i32) -> (i32, i32, i32) {
    %c0_i32 = arith.constant 0 : i32
    %c0_i32_0 = arith.constant 0 : i32
    %c0_i32_1 = arith.constant 0 : i32
    return %arg0, %c0_i32, %c0_i32_0 : i32, i32, i32
  }
  func.func @transform_4(%arg0: i32) -> (i32, i32, i32) {
    %c0_i32 = arith.constant 0 : i32
    %c0_i32_0 = arith.constant 0 : i32
    %c0_i32_1 = arith.constant 0 : i32
    return %arg0, %c0_i32, %c0_i32_0 : i32, i32, i32
  }
  func.func @transform_5(%arg0: i32) -> (i32, i32) {
    %c0_i32 = arith.constant 0 : i32
    %c0_i32_0 = arith.constant 0 : i32
    %c0_i32_1 = arith.constant 0 : i32
    return %c0_i32, %c0_i32_0 : i32, i32
  }
}

</mosaic_0001>

<sc_bundles>
// kernel: kernel.4.cloned.1.call-start
scs
__scs_entry_jumppad:
0x0: {  	(pc) =	sbr.rel $0x88, $3  }
0x1: {  	(tag) =	ssettag $0x0;
	lr =	simm.s32 $0x1  }
0x2: {  	[smem:$0x3F9E] =	sst lr;
	_ =	strace $0xD0000000  }
0x3: {  	_ = 	snop  }
0x4: {  	_ = 	snop  }
0x5: {  	_ = 	snop  }
0x6: {  	_ = 	snop  }
0x7: {  	_ = 	snop  }
__scs_overlays_trampoline_lowered:
0x8: {  	[smem:$0x3FAD] =	sst s0  }
0x9: {  	[smem:$0x3FAE] =	sst s1  }
0xa: {  	[smem:$0x3FAF] =	sst s2  }
0xb: {  	[smem:$0x3FB0] =	sst s3  }
0xc: {  	[smem:$0x3FB1] =	sst s4  }
0xd: {  	[smem:$0x3FB2] =	sst s5  }
0xe: {  	[smem:$0x3FB3] =	sst s6  }
0xf: {  	[smem:$0x3FB4] =	sst s7  }
0x10: {  	[smem:$0x3FB5] =	sst s8  }
0x11: {  	[smem:$0x3FB6] =	sst s9;
	s0 =	simm.s32 @!p0 $0x0  }
0x12: {  	s1 =	sld [smem:$0x3F9C];
	s0 =	simm.s32 @p0 $0x1  }
0x13: {  	[smem:$0x3FB7] =	sst s0;
	s0 =	simm.s32 @!p1 $0x0  }
0x14: {  	s2 =	sld [smem:$0x3F9B];
	s0 =	simm.s32 @p1 $0x1  }
0x15: {  	[smem:$0x3FB8] =	sst s0;
	s0 =	simm.s32 @!p2 $0x0  }
0x16: {  	s3 =	sld [smem:$0x3FDB];
	s0 =	simm.s32 @p2 $0x1  }
0x17: {  	s4 =	simm.s32 $0x1BF5;
	[smem:$0x3FBA] =	sst s0  }
0x18: {  	s0 =	sld [smem:$0x3F9D];
	_ =	swait.ge [sflag:s4], $0x0  }
0x19: {  	s7 =	sld [smem:$0x3F9E]  }
0x1a: {  	s8 =	sadd.s32 $0xFFFFE003, lr  }
0x1b: {  	s9 =	sadd.s32 $0xFFFFFEF7, lr;
	s5 =	simm.s32 $0xFFFFFFFF;
	p2 =	slt.u32 s8, $0xFFFFF086  }
0x1c: {  	p1 =	slt.u32 s9, $0xF7A;
	s5 =	simm.s32 @!p2 $0x0  }
0x1d: {  	s5 =	simm.s32 @p1 $0x1;
	p0 =	seq.s32 s7, s2  }
0x1e: {  	s7 =	smul.u32 @!p0 $0xF7A, s2;
	p2 =	seq.s32 @!p0 s5, $0x0  }
0x1f: {  	s9 =	smul.u32 $0xF7A, s1;
	s8 =	simm.s32 @!p0 $0x1BF5;
	p2 =	por !p2, p0  }
0x20: {  	[sflag:s8] =	ssyncset.s32 @!p0 $0xFFFFF086;
	s6 =	sadd.s32 @!p0 s3, s7;
	s7 =	simm.s32 @!p0 $0x108  }
0x21: {  	s3 =	sadd.s32 s3, s9;
	s6 =	sadd.s32 @!p0 $0x88, s6;
	s7 =	simm.s32 @p2 $0x1082  }
0x22: {  	[simem:s7], [sflag:s8] =	dma.local @!p0 [hbm:s6], $0xF7A  }
0x23: {  	s9 =	sor.u32 $0xD0000000, s2;
	s6 =	simm.s32 $0x108;
	_ =	swait.ge @!p0 [sflag:s8], $0x0  }
0x24: {  	s3 =	sadd.s32 $0x88, s3;
	s6 =	simm.s32 @!p1 $0x1082;
	[sflag:s4] =	ssyncset.s32 $0xFFFFF086  }
0x25: {  	[simem:s6], [sflag:s4] =	dma.local [hbm:s3], $0xF7A  }
0x26: {  	[smem:$0x3F9E] =	sst s1;
	(tag) =	ssettag s2;
	_ =	strace s9  }
0x27: {  	s1 =	sld [smem:$0x3FAE]  }
0x28: {  	s2 =	sld [smem:$0x3FAF]  }
0x29: {  	s4 =	sld [smem:$0x3FB1]  }
0x2a: {  	p0 =	seq.s32 s5, $0x0;
	s5 =	sld [smem:$0x3FB2]  }
0x2b: {  	s6 =	sld [smem:$0x3FB3]  }
0x2c: {  	s7 =	sld [smem:$0x3FB4]  }
0x2d: {  	s3 =	simm.s32 $0x108;
	s8 =	sld [smem:$0x3FB5]  }
0x2e: {  	s3 =	simm.s32 @!p0 $0x1082;
	s9 =	sld [smem:$0x3FB6]  }
0x2f: {  	lr =	sadd.s32 s0, s3;
	s0 =	sld [smem:$0x3FAD]  }
0x30: {  	s3 =	sld [smem:$0x3FB0]  }
0x31: {  	[smem:$0x3FB9] =	sst s10  }
0x32: {  	s10 =	sld [smem:$0x3FB7];
	_ =	sdelay $0x3  }
0x33: {  	p0 =	seq.s32 s10, $0x1;
	s10 =	sld [smem:$0x3FB9];
	_ =	sdelay $0x3  }
0x34: {  	[smem:$0x3FB9] =	sst s10  }
0x35: {  	s10 =	sld [smem:$0x3FB8];
	_ =	sdelay $0x3  }
0x36: {  	p1 =	seq.s32 s10, $0x1;
	s10 =	sld [smem:$0x3FB9];
	_ =	sdelay $0x3  }
0x37: {  	[smem:$0x3FB9] =	sst s10  }
0x38: {  	s10 =	sld [smem:$0x3FBA]  }
0x39: {  	_ = 	snop;
	(pc) =	sbr.ind lr, $3  }
0x3a: {  	_ = 	snop  }
0x3b: {  	_ = 	snop  }
0x3c: {  	p2 =	seq.s32 s10, $0x1;
	s10 =	sld [smem:$0x3FB9]  }
0x3d: {  	_ =	shalt  }
0x3e: {  	_ =	shalt  }
0x3f: {  	_ =	shalt  }
0x40: {  	_ =	shalt  }
0x41: {  	_ =	shalt  }
0x42: {  	_ =	shalt  }
0x43: {  	_ =	shalt  }
0x44: {  	_ =	shalt  }
0x45: {  	_ =	shalt  }
0x46: {  	_ =	shalt  }
0x47: {  	_ =	shalt  }
0x48: {  	_ =	shalt  }
0x49: {  	_ =	shalt  }
0x4a: {  	_ =	shalt  }
0x4b: {  	_ =	shalt  }
0x4c: {  	_ =	shalt  }
0x4d: {  	_ =	shalt  }
0x4e: {  	_ =	shalt  }
0x4f: {  	_ =	shalt  }
0x50: {  	_ =	shalt  }
0x51: {  	_ =	shalt  }
0x52: {  	_ =	shalt  }
0x53: {  	_ =	shalt  }
0x54: {  	_ =	shalt  }
0x55: {  	_ =	shalt  }
0x56: {  	_ =	shalt  }
0x57: {  	_ =	shalt  }
0x58: {  	_ =	shalt  }
0x59: {  	_ =	shalt  }
0x5a: {  	_ =	shalt  }
0x5b: {  	_ =	shalt  }
0x5c: {  	_ =	shalt  }
0x5d: {  	_ =	shalt  }
0x5e: {  	_ =	shalt  }
0x5f: {  	_ =	shalt  }
0x60: {  	_ =	shalt  }
0x61: {  	_ =	shalt  }
0x62: {  	_ =	shalt  }
0x63: {  	_ =	shalt  }
0x64: {  	_ =	shalt  }
0x65: {  	_ =	shalt  }
0x66: {  	_ =	shalt  }
0x67: {  	_ =	shalt  }
0x68: {  	_ =	shalt  }
0x69: {  	_ =	shalt  }
0x6a: {  	_ =	shalt  }
0x6b: {  	_ =	shalt  }
0x6c: {  	_ =	shalt  }
0x6d: {  	_ =	shalt  }
0x6e: {  	_ =	shalt  }
0x6f: {  	_ =	shalt  }
0x70: {  	_ =	shalt  }
0x71: {  	_ =	shalt  }
0x72: {  	_ =	shalt  }
0x73: {  	_ =	shalt  }
0x74: {  	_ =	shalt  }
0x75: {  	_ =	shalt  }
0x76: {  	_ =	shalt  }
0x77: {  	_ =	shalt  }
0x78: {  	_ =	shalt  }
0x79: {  	_ =	shalt  }
0x7a: {  	_ =	shalt  }
0x7b: {  	_ =	shalt  }
0x7c: {  	_ =	shalt  }
0x7d: {  	_ =	shalt  }
0x7e: {  	_ =	shalt  }
0x7f: {  	_ =	shalt  }
0x80: {  	_ =	shalt  }
0x81: {  	_ =	shalt  }
0x82: {  	_ =	shalt  }
0x83: {  	_ =	shalt  }
0x84: {  	_ =	shalt  }
0x85: {  	_ =	shalt  }
0x86: {  	_ =	shalt  }
0x87: {  	_ =	shalt  }
.Lfunc_end0:
.L_simem_size_0:
called_computation_lowered:
.L_overlay_start_0:
0x88: {  	s2 =	sld [smem:$0x3FD9]  }
0x89: {  	s3 =	sld [smem:$0x3FFE];
	_ =	sdelay $0x1  }
0x8a: {  	s1 =	srdreg.scid  }
0x8b: {  	s0 =	sand.u32 $0x1, s1  }
0x8c: {  	s14 =	sshll.u32 s0, $0xA;
	s2 =	sadd.s32 s3, s2  }
0x8d: {  	s2 =	sadd.s32 s2, s14  }
0x8e: {  	[smem:$0x3FC5] =	sst s2  }
0x8f: {  	_ = 	snop  }
0x90: {  	s2 =	sld [smem:$0x3FD0];
	_ =	sdelay $0x1  }
0x91: {  	s15 =	sld [smem:$0x3FC8]  }
0x92: {  	s5 =	simm.s32 $0xA;
	s6 =	simm.s32 $0x10;
	s4 =	sld [smem:$0x3FC7]  }
0x93: {  	[smem:s6], [sflag:s5] =	dma.local [hbm:s2], $0x1  }
0x94: {  	_ =	swait.eq [sflag:s5], $0x1  }
0x95: {  	[sflag:s5] =	ssyncset.done $0x0  }
0x96: {  	s16 =	sld [smem:$0x11];
	[sflag:s5] =	ssyncadd.s32 $0xFFFFFFFF  }
0x97: {  	s17 =	sld [smem:$0x12];
	(tm) =	ssettm $0x1  }
0x98: {  	s18 =	sld [smem:$0x3FFB];
	_ =	sdelay $0x3  }
0x99: {  	_ =	strace s18  }
0x9a: {  	s6 =	sld [smem:$0x3FFC];
	_ =	sdelay $0x3  }
0x9b: {  	_ =	strace s6  }
0x9c: {  	s6 =	sld [smem:$0x3FFD];
	_ =	sdelay $0x3  }
0x9d: {  	_ =	strace s6  }
0x9e: {  	_ =	strace $0x8FFFFFFF  }
0x9f: {  	s19 =	sld [smem:$0x3FDB];
	_ =	sdelay $0x1  }
0xa0: {  	s7 =	simm.s32 $_scs_section_size  }
0xa1: {  	s8 =	simm.s32 $_size__tile_overlayer_lowered;
	s9 =	simm.s32 $_tile_overlayer_lowered  }
0xa2: {  	s22 =	simm.s32 $0x1BFF;
	s21 =	sshll.u32 s9, $0x1;
	s6 =	sadd.s32 s7, s19  }
0xa3: {  	s10 =	simm.s32 $0x0;
	s20 =	sshll.u32 s8, $0x1;
	s8 =	sadd.s32 s21, s6  }
0xa4: {  	[timem:s10], [sflag:s22] =	dma.local [hbm:s8], s20  }
0xa5: {  	_ =	swait.ge [sflag:s22], s20  }
0xa6: {  	s7 =	ssub.s32 $0x0, s20;
	[sflag:s22] =	ssyncset.done $0x0  }
0xa7: {  	[sflag:s22] =	ssyncadd.s32 s7;
	_ =	sdelay $0x1  }
0xa8: {  	s23 =	simm.s32 $0x1B8B  }
0xa9: {  	_ =	swait.ge [sflag:s23], $0x1  }
0xaa: {  	[sflag:s23] =	ssyncset.done $0x0  }
0xab: {  	s25 =	simm.s32 $0x1B8E;
	s24 =	sld [smem:$0x3FFE];
	[sflag:s23] =	ssyncadd.s32 $0xFFFFFFFF  }
0xac: {  	s26 =	simm.s32 $execute0_lowered;
	[smem:$0x3FD2] =	sst s25  }
0xad: {  	s8 =	sshll.u32 s26, $0x1;
	_ =	strace $0x80000046;
	[dreg:$0x1] =	wrdreg $0xFFFFFFFF  }
0xae: {  	s28 =	simm.s32 $_size_execute0_lowered;
	s6 =	sadd.s32 s6, s8;
	[dreg:$0x0] =	wrdreg $0x0  }
0xaf: {  	s8 =	sshll.u32 s28, $0x1;
	[dreg:$0x2] =	wrdreg s6  }
0xb0: {  	[dreg:$0x3] =	wrdreg s8  }
0xb1: {  	[dreg:$0x4] =	wrdreg $0xC0  }
0xb2: {  	_ =	task [dreg:s10], $0x5FFFF  }
0xb3: {  	[dreg:$0x1] =	wrdreg $0xFFFFFFFF  }
0xb4: {  	[dreg:$0x0] =	wrdreg $0x60  }
0xb5: {  	[dreg:$0x2] =	wrdreg s4  }
0xb6: {  	[dreg:$0x3] =	wrdreg s15  }
0xb7: {  	[dreg:$0x4] =	wrdreg s24  }
0xb8: {  	[dreg:$0x5] =	wrdreg s16  }
0xb9: {  	[dreg:$0x6] =	wrdreg s17  }
0xba: {  	[dreg:$0x7] =	wrdreg $0x9  }
0xbb: {  	_ =	task.clear_ibuf [dreg:s10], $0x8FFFF;
	_ =	strace $0x90000046  }
0xbc: {  	s29 =	simm.s32 $0x9;
	_ =	strace $0x80000048  }
0xbd: {  	_ =	swait.ge [sflag:s29], $0x1  }
0xbe: {  	[sflag:s29] =	ssyncadd.s32 $0xFFFFFFFF  }
0xbf: {  	_ =	strace $0x90000048  }
0xc0: {  	_ =	sfence  }
0xc1: {  	s30 =	sld [smem:$0x0];
	_ =	sdelay $0x2  }
0xc2: {  	s31 =	sshll.u32 s1, $0xD;
	s1 =	sshrl.u32 s1, $0x2  }
0xc3: {  	s3 =	sand.u32 $0x4000, s31;
	s1 =	sadd.s32 s1, s30  }
0xc4: {  	s0 =	sor.u32 s3, s0;
	s1 =	sshll.u32 s1, $0x11  }
0xc5: {  	s0 =	sor.u32 s1, s0  }
0xc6: {  	s0 =	sadd.s32 $0x8F2B, s0  }
0xc7: {  	[sflag:s0] =	ssyncadd.remote.s32 $0x1  }
0xc8: {  	_ =	sfence.sel $0xFFFF  }
0xc9: {  	[dreg:$0x0] =	wrdreg $0xFFFFFFFF;
	(pc) =	sbr.abs _section_cstart, $3  }
0xca: {  	[dreg:$0x1] =	wrdreg $0xFFFFFFFF  }
0xcb: {  	_ =	task.clear_ibuf [dreg:s10], $0x2FFFF;
	_ =	strace $0x9FFFFFFF  }
0xcc: {  	(tm) =	ssettm $0x7FFFFFFF  }
0xcd: {  	_ =	shalt  }
tec
execute0_lowered:
.L_overlay_start_1:
0x0: {  	(tag) =	ssettag $0x1  }
0x1: {  	s1 =	rddreg [dreg:$0x0]  }
0x2: {  	s2 =	rddreg [dreg:$0x1]  }
0x3: {  	s0 =	rddreg [dreg:$0x2]  }
0x4: {  	s3 =	rddreg [dreg:$0x3]  }
0x5: {  	s4 =	rddreg [dreg:$0x4];
	s5 =	srdreg.scid;
	s6 =	simm.s32 $0x0  }
0x6: {  	s10 =	stileid.u32;
	s16 =	simm.s32 $0x3;
	s18 =	simm.s32 $0x2  }
0x7: {  	s19 =	simm.s32 $0x11000;
	s20 =	simm.s32 $0x1;
	s21 =	simm.s32 $0x1000  }
0x8: {  	s22 =	simm.s32 $0x9000;
	s5 =	sand.u32 $0x1, s5;
	[smem:$0x7FF] =	sst s6  }
0x9: {  	s9 =	sshll.u32 s10, $0x1;
	s15 =	sshll.u32 s10, $0x11;
	s7 =	ssub.s32 $0x2, s5  }
0xa: {  	_ =	strace $0x80000047;
	s25 =	sor.u32 s5, s9;
	s5 =	sshll.u32 s5, $0x10  }
0xb: {  	s8 =	sshrl.u32 s7, $0x1;
	s26 =	sshll.u32 s25, $0x5;
	s9 =	sshll.u32 s25, $0x8  }
0xc: {  	s31 =	sor.u32 s5, s15;
	s14 =	ssub.s32 s7, s8;
	s7 =	sshll.u32 s25, $0x10  }
0xd: {  	[dreg:$0x6] =	wrdreg s26;
	s8 =	sadd.s32 s0, s9;
	s15 =	sadd.s32 $0x1FFFF000, s31  }
0xe: {  	s25 =	simm.s32 $0x0;
	s28 =	sor.u32 $0xE000, s7;
	s9 =	sadd.s32 $0x2000, s8  }
0xf: {  	s30 =	sor.u32 $0xF000, s7;
	[dreg:$0x7] =	wrdreg s9;
	s29 =	sadd.s32 s3, s28  }
0x10: {  	s14 =	smax.u32 s14, $0x1;
	s0 =	sadd.s32 s4, s28;
	[dreg:$0x8] =	wrdreg s29  }
0x11: {  	s12 =	sadd.s32 s3, s30;
	s13 =	sadd.s32 s4, s30;
	[dreg:$0x9] =	wrdreg s0  }
.LBB2_1:
0x12: {  	s0 =	rddreg [dreg:$0x7]  }
0x13: {  	[tilespmem:s6], [sflag:$0x3] =	stream.linear.gather [hbm4b:s0+s6], $0x800, $0x38;
	[tilespmem:$0x19000] =	vst v63  }
0x14: {  	_ =	swait.ge [sflag:s16], $0x800  }
0x15: {  	[sflag:s16] =	ssyncset.done $0x0  }
0x16: {  	s10 =	simm.s32 $0x800;
	[sflag:s16] =	ssyncadd.s32 $0xFFFFF800  }
0x17: {  	[tilespmem:s10], [sflag:$0x3] =	stream.linear.gather [hbm4b:s8+s6], $0x800, $0x38;
	[tilespmem:$0x19000] =	vst v63  }
0x18: {  	_ =	swait.ge [sflag:s16], $0x800  }
0x19: {  	p0 =	por $0x0, $0x0;
	[sflag:s16] =	ssyncset.done $0x0  }
0x1a: {  	s0 =	simm.s32 @p0 $0x2;
	[sflag:s16] =	ssyncadd.s32 $0xFFFFF800  }
0x1b: {  	_ =	swait.ge @p0 [sflag:s0], $0x8000  }
0x1c: {  	s5 =	simm.s32 @p0 $0x1;
	[sflag:s0] =	ssyncset.done @p0 $0x0  }
0x1d: {  	s26 =	simm.s32 @p0 $0x0;
	s28 =	simm.s32 @p0 $0x1000;
	[sflag:s0] =	ssyncadd.s32 @p0 $0xFFFF8000  }
0x1e: {  	[tilespmem:s28], [sflag:$0x1] =	stream.indirect.gather @p0 [hbm4b:s1+s0], $0x4000, s26, s0, $0xb8;
	[tilespmem:$0x19000] =	vst v63  }
0x1f: {  	_ =	swait.ge @p0 [sflag:s5], $0x8000  }
0x20: {  	s30 =	simm.s32 @p0 $0x0;
	s26 =	sand.u32 @p0 $0x1FFFF000, s15;
	[sflag:s5] =	ssyncset.done @p0 $0x0  }
0x21: {  	s28 =	simm.s32 @p0 $0x9000;
	s29 =	sadd.s32 @p0 s3, s26;
	[sflag:s5] =	ssyncadd.s32 @p0 $0xFFFF8000  }
0x22: {  	[hbm4b:s29+s30] =	stream.linear.scatter @p0 [tilespmem:s28], [sflag:$0x2], $0x8000, $0x38;
	[tilespmem:$0x19000] =	vst v63  }
0x23: {  	_ =	swait.ge @p0 [sflag:s0], $0x8000  }
0x24: {  	[sflag:s0] =	ssyncset.done @p0 $0x0  }
0x25: {  	s29 =	simm.s32 @p0 $0x800;
	[sflag:s0] =	ssyncadd.s32 @p0 $0xFFFF8000  }
0x26: {  	[tilespmem:s28], [sflag:$0x1] =	stream.indirect.gather @p0 [hbm4b:s2+s0], $0x4000, s29, s0, $0xb8;
	[tilespmem:$0x19000] =	vst v63  }
0x27: {  	_ =	swait.ge @p0 [sflag:s5], $0x8000  }
0x28: {  	[sflag:s5] =	ssyncset.done @p0 $0x0  }
0x29: {  	s26 =	sadd.s32 @p0 s4, s26;
	[sflag:s5] =	ssyncadd.s32 @p0 $0xFFFF8000;
	s5 =	simm.s32 @p0 $0x11000  }
0x2a: {  	[hbm4b:s26+s30] =	stream.linear.scatter @p0 [tilespmem:s5], [sflag:$0x2], $0x8000, $0x38;
	[tilespmem:$0x19000] =	vst v63  }
0x2b: {  	_ =	swait.ge @p0 [sflag:s0], $0x8000  }
0x2c: {  	s5 =	simm.s32 @!p0 $0x1000;
	[sflag:s0] =	ssyncset.done @p0 $0x0  }
0x2d: {  	s26 =	simm.s32 @!p0 $0x0;
	[sflag:s0] =	ssyncadd.s32 @p0 $0xFFFF8000;
	s0 =	simm.s32 @!p0 $0x2  }
0x2e: {  	[tilespmem:s5], [sflag:$0x1] =	stream.indirect.gather @!p0 [hbm4b:s1+s0], $0x4000, s26, s0, $0xb8;
	[tilespmem:$0x19000] =	vst v63  }
0x2f: {  	s5 =	simm.s32 $0x1  }
0x30: {  	s28 =	simm.s32 @!p0 $0x9000;
	s26 =	simm.s32 @!p0 $0x800;
	s5 =	simm.s32 @!p0 $0x1  }
0x31: {  	[tilespmem:s28], [sflag:$0x1] =	stream.indirect.gather @!p0 [hbm4b:s2+s0], $0x4000, s26, s0, $0xb8;
	[tilespmem:$0x19000] =	vst v63  }
0x32: {  	s11 =	sshll.u32 s5, $0x7  }
0x33: {  	[tilespmem:s19], [sflag:$0x1] =	stream.indirect.gather [hbm4b:s1+s18], $0x4000, s11, s18, $0xb8;
	[tilespmem:$0x19000] =	vst v63  }
0x34: {  	s28 =	simm.s32 $0x0;
	_ =	swait.ge [sflag:s20], $0x8000  }
0x35: {  	s28 =	simm.s32 @!p0 $0x0;
	s17 =	rddreg [dreg:$0x6]  }
0x36: {  	s26 =	sadd.s32 s17, s28  }
0x37: {  	[sflag:s20] =	ssyncset.done $0x0;
	s26 =	sshll.u32 s26, $0xB  }
0x38: {  	[sflag:s20] =	ssyncadd.s32 $0xFFFF8000;
	s28 =	sadd.s32 s3, s26  }
0x39: {  	[hbm4b:s28+s6] =	stream.linear.scatter [tilespmem:s21], [sflag:$0x2], $0x8000, $0x38;
	[tilespmem:$0x19000] =	vst v63  }
0x3a: {  	_ =	swait.ge [sflag:s18], $0x8000  }
0x3b: {  	[sflag:s18] =	ssyncset.done $0x0  }
0x3c: {  	s0 =	sadd.s32 $0x800, s11;
	[sflag:s18] =	ssyncadd.s32 $0xFFFF8000  }
0x3d: {  	[tilespmem:s21], [sflag:$0x1] =	stream.indirect.gather [hbm4b:s2+s18], $0x4000, s0, s18, $0xb8;
	[tilespmem:$0x19000] =	vst v63  }
0x3e: {  	_ =	swait.ge [sflag:s20], $0x8000  }
0x3f: {  	[sflag:s20] =	ssyncset.done $0x0  }
0x40: {  	s23 =	sadd.s32 s4, s26;
	[sflag:s20] =	ssyncadd.s32 $0xFFFF8000  }
0x41: {  	[hbm4b:s23+s6] =	stream.linear.scatter [tilespmem:s22], [sflag:$0x2], $0x8000, $0x38;
	[tilespmem:$0x19000] =	vst v63  }
0x42: {  	_ =	swait.ge [sflag:s18], $0x8000  }
0x43: {  	s26 =	simm.s32 $0x100;
	[sflag:s18] =	ssyncset.done $0x0  }
0x44: {  	s26 =	simm.s32 @!p0 $0x100;
	[sflag:s18] =	ssyncadd.s32 $0xFFFF8000  }
0x45: {  	[tilespmem:s22], [sflag:$0x1] =	stream.indirect.gather [hbm4b:s1+s18], $0x4000, s26, s18, $0xb8;
	[tilespmem:$0x19000] =	vst v63  }
0x46: {  	s24 =	sshll.u32 s5, $0xC;
	_ =	swait.ge [sflag:s20], $0x8000  }
0x47: {  	s5 =	sadd.s32 s7, s24;
	[sflag:s20] =	ssyncset.done $0x0  }
0x48: {  	s0 =	sadd.s32 s3, s5;
	[sflag:s20] =	ssyncadd.s32 $0xFFFF8000  }
0x49: {  	[hbm4b:s0+s6] =	stream.linear.scatter [tilespmem:s19], [sflag:$0x2], $0x8000, $0x38;
	[tilespmem:$0x19000] =	vst v63  }
0x4a: {  	s31 =	simm.s32 $0x600;
	_ =	swait.ge [sflag:s18], $0x8000  }
0x4b: {  	s29 =	simm.s32 $0x6;
	s30 =	sadd.s32 $0x3000, s15;
	[sflag:s18] =	ssyncset.done $0x0  }
0x4c: {  	s28 =	simm.s32 $0x4;
	s26 =	sadd.s32 $0x800, s26;
	[sflag:s18] =	ssyncadd.s32 $0xFFFF8000  }
0x4d: {  	[tilespmem:s19], [sflag:$0x1] =	stream.indirect.gather [hbm4b:s2+s18], $0x4000, s26, s18, $0xb8;
	[tilespmem:$0x19000] =	vst v63  }
0x4e: {  	p0 =	por $0x1, $0x1;
	s5 =	sadd.s32 s4, s5;
	_ =	swait.ge [sflag:s20], $0x8000  }
0x4f: {  	s0 =	simm.s32 $0xC00;
	s26 =	simm.s32 $0x280;
	[sflag:s20] =	ssyncset.done $0x0  }
.LBB2_2:
0x50: {  	s17 =	simm.s32 @p0 $0x2;
	[sflag:s20] =	ssyncadd.s32 $0xFFFF8000  }
0x51: {  	[hbm4b:s5+s6] =	stream.linear.scatter [tilespmem:s21], [sflag:$0x2], $0x8000, $0x38;
	[tilespmem:$0x19000] =	vst v63  }
0x52: {  	_ =	swait.ge @p0 [sflag:s17], $0x8000  }
0x53: {  	s23 =	smov.u32 s0;
	s31 =	sshra.s32 @p0 s31, $0x2;
	[sflag:s17] =	ssyncset.done @p0 $0x0  }
0x54: {  	s24 =	simm.s32 @p0 $0x1000;
	s5 =	simm.s32 @p0 $0x1;
	[sflag:s17] =	ssyncadd.s32 @p0 $0xFFFF8000  }
0x55: {  	[tilespmem:s24], [sflag:$0x1] =	stream.indirect.gather @p0 [hbm4b:s1+s17], $0x4000, s31, s17, $0xb8;
	[tilespmem:$0x19000] =	vst v63  }
0x56: {  	s9 =	simm.s32 @p0 $0x9000;
	s24 =	sadd.s32 @p0 $0x800, s31;
	_ =	swait.ge @p0 [sflag:s5], $0x8000  }
0x57: {  	s31 =	smov.u32 s23;
	s23 =	sand.u32 @p0 $0x1FFFF000, s30;
	[sflag:s5] =	ssyncset.done @p0 $0x0  }
0x58: {  	s11 =	simm.s32 @p0 $0x0;
	s10 =	sadd.s32 @p0 s3, s23;
	[sflag:s5] =	ssyncadd.s32 @p0 $0xFFFF8000  }
0x59: {  	[hbm4b:s10+s11] =	stream.linear.scatter @p0 [tilespmem:s9], [sflag:$0x2], $0x8000, $0x38;
	[tilespmem:$0x19000] =	vst v63  }
0x5a: {  	_ =	swait.ge @p0 [sflag:s17], $0x8000  }
0x5b: {  	[sflag:s17] =	ssyncset.done @p0 $0x0  }
0x5c: {  	[sflag:s17] =	ssyncadd.s32 @p0 $0xFFFF8000  }
0x5d: {  	[tilespmem:s9], [sflag:$0x1] =	stream.indirect.gather @p0 [hbm4b:s2+s17], $0x4000, s24, s17, $0xb8;
	[tilespmem:$0x19000] =	vst v63  }
0x5e: {  	_ =	swait.ge @p0 [sflag:s5], $0x8000  }
0x5f: {  	[sflag:s5] =	ssyncset.done @p0 $0x0  }
0x60: {  	s10 =	sadd.s32 @p0 s4, s23;
	[sflag:s5] =	ssyncadd.s32 @p0 $0xFFFF8000;
	s5 =	simm.s32 @p0 $0x11000  }
0x61: {  	[hbm4b:s10+s11] =	stream.linear.scatter @p0 [tilespmem:s5], [sflag:$0x2], $0x8000, $0x38;
	[tilespmem:$0x19000] =	vst v63  }
0x62: {  	_ =	swait.ge @p0 [sflag:s17], $0x8000  }
0x63: {  	s9 =	simm.s32 @!p0 $0x2;
	s5 =	simm.s32 @!p0 $0x1000;
	[sflag:s17] =	ssyncset.done @p0 $0x0  }
0x64: {  	s10 =	simm.s32 @!p0 $0x0;
	s11 =	smov.u32 s28;
	[sflag:s17] =	ssyncadd.s32 @p0 $0xFFFF8000  }
0x65: {  	[tilespmem:s5], [sflag:$0x1] =	stream.indirect.gather @!p0 [hbm4b:s1+s9], $0x4000, s10, s9, $0xb8;
	[tilespmem:$0x19000] =	vst v63  }
0x66: {  	s11 =	simm.s32 @!p0 $0x1;
	s5 =	simm.s32 @!p0 $0x800;
	s10 =	simm.s32 @!p0 $0x9000  }
0x67: {  	[tilespmem:s10], [sflag:$0x1] =	stream.indirect.gather @!p0 [hbm4b:s2+s9], $0x4000, s5, s9, $0xb8;
	[tilespmem:$0x19000] =	vst v63  }
0x68: {  	s23 =	sshll.u32 s11, $0x7  }
0x69: {  	[tilespmem:s19], [sflag:$0x1] =	stream.indirect.gather [hbm4b:s1+s18], $0x4000, s23, s18, $0xb8;
	[tilespmem:$0x19000] =	vst v63  }
0x6a: {  	s9 =	sshll.u32 s11, $0xC;
	s11 =	smov.u32 s29;
	_ =	swait.ge [sflag:s20], $0x8000  }
0x6b: {  	s11 =	simm.s32 @!p0 $0x0;
	s24 =	rddreg [dreg:$0x6]  }
0x6c: {  	s10 =	sadd.s32 s24, s11  }
0x6d: {  	[sflag:s20] =	ssyncset.done $0x0;
	s10 =	sshll.u32 s10, $0xB  }
0x6e: {  	[sflag:s20] =	ssyncadd.s32 $0xFFFF8000;
	s17 =	sadd.s32 s3, s10  }
0x6f: {  	[hbm4b:s17+s6] =	stream.linear.scatter [tilespmem:s21], [sflag:$0x2], $0x8000, $0x38;
	[tilespmem:$0x19000] =	vst v63  }
0x70: {  	_ =	swait.ge [sflag:s18], $0x8000  }
0x71: {  	[sflag:s18] =	ssyncset.done $0x0  }
0x72: {  	s5 =	sadd.s32 $0x800, s23;
	[sflag:s18] =	ssyncadd.s32 $0xFFFF8000  }
0x73: {  	[tilespmem:s21], [sflag:$0x1] =	stream.indirect.gather [hbm4b:s2+s18], $0x4000, s5, s18, $0xb8;
	[tilespmem:$0x19000] =	vst v63  }
0x74: {  	_ =	swait.ge [sflag:s20], $0x8000  }
0x75: {  	[sflag:s20] =	ssyncset.done $0x0  }
0x76: {  	s23 =	sadd.s32 s4, s10;
	[sflag:s20] =	ssyncadd.s32 $0xFFFF8000  }
0x77: {  	[hbm4b:s23+s6] =	stream.linear.scatter [tilespmem:s22], [sflag:$0x2], $0x8000, $0x38;
	[tilespmem:$0x19000] =	vst v63  }
0x78: {  	_ =	swait.ge [sflag:s18], $0x8000  }
0x79: {  	s5 =	smov.u32 s26;
	[sflag:s18] =	ssyncset.done $0x0  }
0x7a: {  	s5 =	simm.s32 @!p0 $0x100;
	[sflag:s18] =	ssyncadd.s32 $0xFFFF8000  }
0x7b: {  	[tilespmem:s22], [sflag:$0x1] =	stream.indirect.gather [hbm4b:s1+s18], $0x4000, s5, s18, $0xb8;
	[tilespmem:$0x19000] =	vst v63  }
0x7c: {  	_ =	swait.ge [sflag:s20], $0x8000  }
0x7d: {  	s9 =	sadd.s32 s7, s9;
	[sflag:s20] =	ssyncset.done $0x0  }
0x7e: {  	s0 =	sadd.s32 $0x600, s0;
	s24 =	sadd.s32 s3, s9;
	[sflag:s20] =	ssyncadd.s32 $0xFFFF8000  }
0x7f: {  	[hbm4b:s24+s6] =	stream.linear.scatter [tilespmem:s19], [sflag:$0x2], $0x8000, $0x38;
	[tilespmem:$0x19000] =	vst v63  }
0x80: {  	p1 =	sne.s32 s0, $0x1E00;
	_ =	swait.ge [sflag:s18], $0x8000  }
.Ltmp0:
0x81: {  	s30 =	sadd.s32 $0x3000, s30;
	[sflag:s18] =	ssyncset.done $0x0;
	(pc) =	sbr.rel @p1 .LBB2_2-.Ltmp0, $4  }
0x82: {  	s28 =	sadd.s32 $0x3, s28;
	s5 =	sadd.s32 $0x800, s5;
	[sflag:s18] =	ssyncadd.s32 $0xFFFF8000  }
0x83: {  	[tilespmem:s19], [sflag:$0x1] =	stream.indirect.gather [hbm4b:s2+s18], $0x4000, s5, s18, $0xb8;
	[tilespmem:$0x19000] =	vst v63  }
0x84: {  	s29 =	sadd.s32 $0x6, s29;
	s26 =	sadd.s32 $0x180, s26;
	_ =	swait.ge [sflag:s20], $0x8000  }
0x85: {  	p0 =	sne.s32 s31, $0x0;
	s5 =	sadd.s32 s4, s9;
	[sflag:s20] =	ssyncset.done $0x0  }
0x86: {  	s0 =	simm.s32 @p0 $0x2;
	[sflag:s20] =	ssyncadd.s32 $0xFFFF8000  }
0x87: {  	[hbm4b:s5+s6] =	stream.linear.scatter [tilespmem:s21], [sflag:$0x2], $0x8000, $0x38;
	[tilespmem:$0x19000] =	vst v63  }
0x88: {  	_ =	swait.ge @p0 [sflag:s0], $0x8000  }
0x89: {  	s9 =	sshra.s32 @p0 s31, $0x2;
	[sflag:s0] =	ssyncset.done @p0 $0x0  }
0x8a: {  	s10 =	simm.s32 @p0 $0x1000;
	s5 =	simm.s32 @p0 $0x1;
	[sflag:s0] =	ssyncadd.s32 @p0 $0xFFFF8000  }
0x8b: {  	[tilespmem:s10], [sflag:$0x1] =	stream.indirect.gather @p0 [hbm4b:s1+s0], $0x4000, s9, s0, $0xb8;
	[tilespmem:$0x19000] =	vst v63  }
0x8c: {  	_ =	swait.ge @p0 [sflag:s5], $0x8000  }
0x8d: {  	s11 =	simm.s32 @p0 $0x9000;
	s10 =	sand.u32 @p0 $0x1FFFF000, s30;
	[sflag:s5] =	ssyncset.done @p0 $0x0  }
0x8e: {  	s23 =	simm.s32 @p0 $0x0;
	s17 =	sadd.s32 @p0 s3, s10;
	[sflag:s5] =	ssyncadd.s32 @p0 $0xFFFF8000  }
0x8f: {  	[hbm4b:s17+s23] =	stream.linear.scatter @p0 [tilespmem:s11], [sflag:$0x2], $0x8000, $0x38;
	[tilespmem:$0x19000] =	vst v63  }
0x90: {  	_ =	swait.ge @p0 [sflag:s0], $0x8000  }
0x91: {  	[sflag:s0] =	ssyncset.done @p0 $0x0  }
0x92: {  	s9 =	sadd.s32 @p0 $0x800, s9;
	[sflag:s0] =	ssyncadd.s32 @p0 $0xFFFF8000  }
0x93: {  	[tilespmem:s11], [sflag:$0x1] =	stream.indirect.gather @p0 [hbm4b:s2+s0], $0x4000, s9, s0, $0xb8;
	[tilespmem:$0x19000] =	vst v63  }
0x94: {  	_ =	swait.ge @p0 [sflag:s5], $0x8000  }
0x95: {  	[sflag:s5] =	ssyncset.done @p0 $0x0  }
0x96: {  	s9 =	sadd.s32 @p0 s4, s10;
	[sflag:s5] =	ssyncadd.s32 @p0 $0xFFFF8000;
	s5 =	simm.s32 @p0 $0x11000  }
0x97: {  	[hbm4b:s9+s23] =	stream.linear.scatter @p0 [tilespmem:s5], [sflag:$0x2], $0x8000, $0x38;
	[tilespmem:$0x19000] =	vst v63  }
0x98: {  	_ =	swait.ge @p0 [sflag:s0], $0x8000  }
0x99: {  	s5 =	simm.s32 @!p0 $0x1000;
	[sflag:s0] =	ssyncset.done @p0 $0x0  }
0x9a: {  	s9 =	simm.s32 @!p0 $0x0;
	[sflag:s0] =	ssyncadd.s32 @p0 $0xFFFF8000;
	s0 =	simm.s32 @!p0 $0x2  }
0x9b: {  	[tilespmem:s5], [sflag:$0x1] =	stream.indirect.gather @!p0 [hbm4b:s1+s0], $0x4000, s9, s0, $0xb8;
	[tilespmem:$0x19000] =	vst v63  }
0x9c: {  	s28 =	simm.s32 @!p0 $0x1;
	s5 =	simm.s32 @!p0 $0x800;
	s9 =	simm.s32 @!p0 $0x9000  }
0x9d: {  	[tilespmem:s9], [sflag:$0x1] =	stream.indirect.gather @!p0 [hbm4b:s2+s0], $0x4000, s5, s0, $0xb8;
	[tilespmem:$0x19000] =	vst v63  }
0x9e: {  	s31 =	sshll.u32 s28, $0x7  }
0x9f: {  	[tilespmem:s19], [sflag:$0x1] =	stream.indirect.gather [hbm4b:s1+s18], $0x4000, s31, s18, $0xb8;
	[tilespmem:$0x19000] =	vst v63  }
0xa0: {  	_ =	swait.ge [sflag:s20], $0x8000  }
0xa1: {  	s29 =	simm.s32 @!p0 $0x0;
	s10 =	rddreg [dreg:$0x6]  }
0xa2: {  	s5 =	sadd.s32 s10, s29  }
0xa3: {  	[sflag:s20] =	ssyncset.done $0x0;
	s5 =	sshll.u32 s5, $0xB  }
0xa4: {  	[sflag:s20] =	ssyncadd.s32 $0xFFFF8000;
	s11 =	sadd.s32 s3, s5  }
0xa5: {  	[hbm4b:s11+s6] =	stream.linear.scatter [tilespmem:s21], [sflag:$0x2], $0x8000, $0x38;
	[tilespmem:$0x19000] =	vst v63  }
0xa6: {  	_ =	swait.ge [sflag:s18], $0x8000  }
0xa7: {  	[sflag:s18] =	ssyncset.done $0x0  }
0xa8: {  	s0 =	sadd.s32 $0x800, s31;
	[sflag:s18] =	ssyncadd.s32 $0xFFFF8000  }
0xa9: {  	[tilespmem:s21], [sflag:$0x1] =	stream.indirect.gather [hbm4b:s2+s18], $0x4000, s0, s18, $0xb8;
	[tilespmem:$0x19000] =	vst v63  }
0xaa: {  	_ =	swait.ge [sflag:s20], $0x8000  }
0xab: {  	[sflag:s20] =	ssyncset.done $0x0  }
0xac: {  	s17 =	sadd.s32 s4, s5;
	[sflag:s20] =	ssyncadd.s32 $0xFFFF8000  }
0xad: {  	[hbm4b:s17+s6] =	stream.linear.scatter [tilespmem:s22], [sflag:$0x2], $0x8000, $0x38;
	[tilespmem:$0x19000] =	vst v63  }
0xae: {  	_ =	swait.ge [sflag:s18], $0x8000  }
0xaf: {  	[sflag:s18] =	ssyncset.done $0x0  }
0xb0: {  	s26 =	simm.s32 @!p0 $0x100;
	[sflag:s18] =	ssyncadd.s32 $0xFFFF8000  }
0xb1: {  	[tilespmem:s22], [sflag:$0x1] =	stream.indirect.gather [hbm4b:s1+s18], $0x4000, s26, s18, $0xb8;
	[tilespmem:$0x19000] =	vst v63  }
0xb2: {  	s23 =	sshll.u32 s28, $0xC;
	_ =	swait.ge [sflag:s20], $0x8000  }
0xb3: {  	s0 =	sadd.s32 s7, s23;
	[sflag:s20] =	ssyncset.done $0x0  }
0xb4: {  	s24 =	sadd.s32 s3, s0;
	[sflag:s20] =	ssyncadd.s32 $0xFFFF8000  }
0xb5: {  	[hbm4b:s24+s6] =	stream.linear.scatter [tilespmem:s19], [sflag:$0x2], $0x8000, $0x38;
	[tilespmem:$0x19000] =	vst v63  }
0xb6: {  	_ =	swait.ge [sflag:s18], $0x8000  }
0xb7: {  	[sflag:s18] =	ssyncset.done $0x0  }
0xb8: {  	s26 =	sadd.s32 $0x800, s26;
	[sflag:s18] =	ssyncadd.s32 $0xFFFF8000  }
0xb9: {  	[tilespmem:s19], [sflag:$0x1] =	stream.indirect.gather [hbm4b:s2+s18], $0x4000, s26, s18, $0xb8;
	[tilespmem:$0x19000] =	vst v63  }
0xba: {  	_ =	swait.ge [sflag:s20], $0x8000  }
0xbb: {  	[sflag:s20] =	ssyncset.done $0x0  }
0xbc: {  	s0 =	sadd.s32 s4, s0;
	[sflag:s20] =	ssyncadd.s32 $0xFFFF8000  }
0xbd: {  	[hbm4b:s0+s6] =	stream.linear.scatter [tilespmem:s21], [sflag:$0x2], $0x8000, $0x38;
	[tilespmem:$0x19000] =	vst v63  }
0xbe: {  	_ =	swait.ge [sflag:s18], $0x8000  }
0xbf: {  	[sflag:s18] =	ssyncset.done $0x0  }
0xc0: {  	s28 =	simm.s32 $0x780;
	[sflag:s18] =	ssyncadd.s32 $0xFFFF8000  }
0xc1: {  	[tilespmem:s21], [sflag:$0x1] =	stream.indirect.gather [hbm4b:s1+s18], $0x4000, s28, s18, $0xb8;
	[tilespmem:$0x19000] =	vst v63  }
0xc2: {  	_ =	swait.ge [sflag:s20], $0x8000  }
0xc3: {  	[sflag:s20] =	ssyncset.done $0x0  }
0xc4: {  	s29 =	rddreg [dreg:$0x8];
	[sflag:s20] =	ssyncadd.s32 $0xFFFF8000  }
0xc5: {  	[hbm4b:s29+s6] =	stream.linear.scatter [tilespmem:s22], [sflag:$0x2], $0x8000, $0x38;
	[tilespmem:$0x19000] =	vst v63  }
0xc6: {  	_ =	swait.ge [sflag:s18], $0x8000  }
0xc7: {  	[sflag:s18] =	ssyncset.done $0x0  }
0xc8: {  	s30 =	simm.s32 $0xF80;
	[sflag:s18] =	ssyncadd.s32 $0xFFFF8000  }
0xc9: {  	[tilespmem:s22], [sflag:$0x1] =	stream.indirect.gather [hbm4b:s2+s18], $0x4000, s30, s18, $0xb8;
	[tilespmem:$0x19000] =	vst v63  }
0xca: {  	_ =	swait.ge [sflag:s20], $0x8000  }
0xcb: {  	[sflag:s20] =	ssyncset.done $0x0  }
0xcc: {  	s31 =	rddreg [dreg:$0x9];
	[sflag:s20] =	ssyncadd.s32 $0xFFFF8000  }
0xcd: {  	[hbm4b:s31+s6] =	stream.linear.scatter [tilespmem:s19], [sflag:$0x2], $0x8000, $0x38;
	[tilespmem:$0x19000] =	vst v63  }
0xce: {  	_ =	swait.ge [sflag:s20], $0x8000  }
0xcf: {  	[sflag:s20] =	ssyncset.done $0x0  }
0xd0: {  	[sflag:s20] =	ssyncadd.s32 $0xFFFF8000  }
0xd1: {  	[hbm4b:s12+s6] =	stream.linear.scatter [tilespmem:s21], [sflag:$0x2], $0x8000, $0x38;
	[tilespmem:$0x19000] =	vst v63  }
0xd2: {  	_ =	swait.ge [sflag:s20], $0x8000  }
0xd3: {  	[sflag:s20] =	ssyncset.done $0x0  }
0xd4: {  	[sflag:s20] =	ssyncadd.s32 $0xFFFF8000  }
0xd5: {  	[hbm4b:s13+s6] =	stream.linear.scatter [tilespmem:s22], [sflag:$0x2], $0x8000, $0x38;
	[tilespmem:$0x19000] =	vst v63  }
0xd6: {  	_ =	swait.ge [sflag:s18], $0x8000  }
0xd7: {  	[sflag:s18] =	ssyncset.done $0x0  }
0xd8: {  	s25 =	sadd.s32 $0x1, s25;
	[sflag:s18] =	ssyncadd.s32 $0xFFFF8000  }
0xd9: {  	p0 =	sne.s32 s25, s14;
	_ =	swait.ge [sflag:s18], $0x8000  }
.Ltmp1:
0xda: {  	[sflag:s18] =	ssyncset.done $0x0;
	(pc) =	sbr.rel @p0 .LBB2_1-.Ltmp1, $4  }
0xdb: {  	[sflag:s18] =	ssyncadd.s32 $0xFFFF8000  }
0xdc: {  	_ =	swait.ge [sflag:s18], $0x8000  }
0xdd: {  	[sflag:s18] =	ssyncset.done $0x0  }
0xde: {  	[sflag:s18] =	ssyncadd.s32 $0xFFFF8000  }
0xdf: {  	_ =	sfence.sel $0x180000  }
0xe0: {  	[bflag:$0x0] =	sbarrier.arrive $0xFFFF  }
0xe1: {  	_ =	strace $0x90000047  }
0xe2: {  	s0 =	stileid.u32;
	[bflag:$0x2] =	sbarrier.arrive $0xFFFF  }
0xe3: {  	p0 =	sne.s32 s0, $0x0;
	s0 =	rddreg [dreg:$0x5]  }
0xe4: {  	s0 =	sadd.s32 @!p0 $0x100000, s0  }
0xe5: {  	[sflag:s0] =	ssyncadd.tile.s32 @!p0 $0x1;
	_ =	shalt  }
.Lfunc_end2:
_tile_overlayer_lowered:
.L_overlay_start_2:
0xe6: {  	(tag) =	ssettag $0x2  }
0xe7: {  	s0 =	rddreg [dreg:$0x0];
	s2 =	stileid.u32  }
0xe8: {  	s1 =	rddreg [dreg:$0x1];
	p0 =	sne.s32 s2, $0x0  }
0xe9: {  	s3 =	rddreg [dreg:$0x2];
	[bflag:$0x3] =	sbarrier.arrive $0xFFFF;
	s2 =	simm.s32 @!p0 $0x1C03  }
0xea: {  	[timem:s3], [sflag:s2] =	dma.local @!p0 [hbm:s0], s1  }
0xeb: {  	s0 =	simm.s32 @!p0 $0x3  }
0xec: {  	_ =	swait.ge @!p0 [sflag:s0], s1  }
0xed: {  	s1 =	ssub.s32 @!p0 $0x0, s1;
	[sflag:s0] =	ssyncset.done @!p0 $0x0  }
0xee: {  	[sflag:s0] =	ssyncadd.s32 @!p0 s1  }
0xef: {  	[bflag:$0x3] =	sbarrier.arrive $0xFFFF  }
0xf0: {  	_ =	shalt  }

</sc_bundles>
